<compile_context>
chip_gen: v7x
topology: tpu7x:2x2x1
jax: 0.10.2.dev20260603
libtpu: 0.0.44.dev20260713+nightly
codegen_flags: <defaults>
</compile_context>

<pallas_src>
import jax
import jax.numpy as jnp
from jax.experimental import pallas as pl
from jax.experimental.pallas import tpu as pltpu

C = 128
H = 112
W = 152
INV_C = 1.0 / C
_NCH = 8
_CC = C // _NCH
_RR = _CC * 32


def _leaky(v):
    return jnp.where(v >= 0, v, 0.01 * v)


def _row_kernel(x_ref, xg_ref, wc_ref, bc_ref, w1_ref, w2_ref, wrc_ref,
                xo_ref, mask_ref, loss_ref):
    T = x_ref.shape[2]
    Bn = xo_ref.shape[1]
    for r in range(x_ref.shape[0]):
        _one_row(r, x_ref, xg_ref, wc_ref, bc_ref, w1_ref, w2_ref, wrc_ref,
                 xo_ref, mask_ref, loss_ref, T, Bn)


def _one_row(r, x_ref, xg_ref, wc_ref, bc_ref, w1_ref, w2_ref, wrc_ref,
             xo_ref, mask_ref, loss_ref, T, Bn):
    X = x_ref[r]
    xg = xg_ref[r]
    idx = jnp.clip((xg * C).astype(jnp.int32), 0, C - 1)
    ci = jax.lax.broadcasted_iota(jnp.int32, (C, T), 0)
    oh = (ci == idx).astype(jnp.float32)

    cls = jnp.dot(wc_ref[r], X, preferred_element_type=jnp.float32)
    cls = _leaky(cls + bc_ref[r])
    mx = jnp.max(cls, axis=0, keepdims=True)
    e = jnp.exp(cls - mx)
    p = e / jnp.sum(e, axis=0, keepdims=True)
    lse = jnp.log(jnp.sum(jnp.exp(p), axis=0, keepdims=True))
    p_gt = jnp.sum(p * oh, axis=0, keepdims=True)
    loss_ref[r] = lse - p_gt

    y1 = jnp.zeros((32, T), jnp.float32)
    for k in range(_NCH):
        mk = jnp.dot(w1_ref[r, k * _RR:(k + 1) * _RR, :], X,
                     preferred_element_type=jnp.float32)
        mk3 = mk.reshape(_CC, 32, T)
        ohk = oh[k * _CC:(k + 1) * _CC, :]
        y1 = y1 + jnp.sum(mk3 * ohk[:, None, :], axis=0)
    y1 = _leaky(y1)

    g2 = jax.lax.dot_general(w2_ref[r], oh, (((0,), (0,)), ((), ())),
                             preferred_element_type=jnp.float32)
    g2v = g2.reshape(32, 32, T)
    y2 = _leaky(jnp.sum(g2v * y1[None, :, :], axis=1))

    g3 = jax.lax.dot_general(wrc_ref[r], oh, (((0,), (0,)), ((), ())),
                             preferred_element_type=jnp.float32)
    g3v = g3.reshape(2, 32, T)
    y3 = jnp.sum(g3v * y2[None, :, :], axis=1)
    reg = _leaky(y3[0])
    mask_ref[r] = _leaky(y3[1])[None, :]
    idxf = idx[0].astype(jnp.float32)

    for i in range(Bn):
        for j in range(Bn):
            xo_ref[r, i, j, :] = (idxf[i * W:(i + 1) * W] * INV_C
                                  + reg[j * W:(j + 1) * W] * INV_C)


def kernel(x, x_gt, conv_c_w, conv_c_b, w1, w2, wrc):
    B = x.shape[0]
    T = B * W
    xr = jnp.transpose(x, (2, 1, 0, 3)).reshape(H, 128, T)
    xgr = jnp.transpose(x_gt, (2, 1, 0, 3)).reshape(H, 1, T)
    wc = conv_c_w.reshape(H, C, 128)
    bc = conv_c_b.reshape(H, C)[:, :, None]
    w1n = w1.reshape(H, C, 128, 32).transpose(0, 1, 3, 2).reshape(H, C * 32, 128)
    w2g = w2.reshape(H, C, 32, 32).transpose(0, 1, 3, 2).reshape(H, C, 32 * 32)
    wrcg = wrc.reshape(H, C, 32, 2).transpose(0, 1, 3, 2).reshape(H, C, 2 * 32)

    R = 4
    xo_t, mask_t, loss_t = pl.pallas_call(
        _row_kernel,
        grid=(H // R,),
        in_specs=[
            pl.BlockSpec((R, 128, T), lambda h: (h, 0, 0)),
            pl.BlockSpec((R, 1, T), lambda h: (h, 0, 0)),
            pl.BlockSpec((R, C, 128), lambda h: (h, 0, 0)),
            pl.BlockSpec((R, C, 1), lambda h: (h, 0, 0)),
            pl.BlockSpec((R, C * 32, 128), lambda h: (h, 0, 0)),
            pl.BlockSpec((R, C, 32 * 32), lambda h: (h, 0, 0)),
            pl.BlockSpec((R, C, 2 * 32), lambda h: (h, 0, 0)),
        ],
        out_specs=[
            pl.BlockSpec((R, B, B, W), lambda h: (h, 0, 0, 0)),
            pl.BlockSpec((R, 1, T), lambda h: (h, 0, 0)),
            pl.BlockSpec((R, 1, T), lambda h: (h, 0, 0)),
        ],
        out_shape=[
            jax.ShapeDtypeStruct((H, B, B, W), jnp.float32),
            jax.ShapeDtypeStruct((H, 1, T), jnp.float32),
            jax.ShapeDtypeStruct((H, 1, T), jnp.float32),
        ],
        compiler_params=pltpu.CompilerParams(
            dimension_semantics=("parallel",)),
    )(xr, xgr, wc, bc, w1n, w2g, wrcg)

    x_out = jnp.transpose(xo_t, (1, 2, 0, 3))
    mask = jnp.transpose(mask_t.reshape(H, B, W), (1, 0, 2))
    loss = jnp.transpose(loss_t.reshape(H, B, W), (1, 0, 2))
    return (x_out, mask, loss)

# --- scband reference (transcript-rebuilt; emitter-appended) ---
"""Pipeline reference for scband-regressor2-41944650613178 (READ-ONLY COPY).

The authoritative reference and input builder live on the scoring server;
editing this copy changes nothing except your own understanding.
"""

import jax, jax.numpy as jnp
import numpy as np

CLASSES = 128
HEIGHT = 112
WIDTH = 152
B = 2
E = CLASSES * HEIGHT


def leaky(v):
    return jax.nn.leaky_relu(v, 0.01)


def setup_inputs(seed: int = 0) -> dict:
    key = jax.random.key(seed)
    ks = jax.random.split(key, 8)
    x = jax.random.normal(ks[0], (B, 128, HEIGHT, WIDTH), dtype=jnp.float32)
    x_gt = jax.random.uniform(ks[1], (B, 1, HEIGHT, WIDTH), dtype=jnp.float32)
    conv_c_w = jax.random.normal(ks[2], (E, 128), dtype=jnp.float32) * 0.02
    conv_c_b = jnp.zeros((E,), dtype=jnp.float32)
    w1 = jax.random.normal(ks[3], (E, 128, 32), dtype=jnp.float32) * 0.05
    w2 = jax.random.normal(ks[4], (E, 32, 32), dtype=jnp.float32) * 0.05
    wrc = jax.random.normal(ks[5], (E, 32, 2), dtype=jnp.float32) * 0.05
    return {"x": x, "x_gt": x_gt, "conv_c_w": conv_c_w, "conv_c_b": conv_c_b,
            "w1": w1, "w2": w2, "wrc": wrc}


def reference(x, x_gt, conv_c_w, conv_c_b, w1, w2, wrc):
    Bn, _, H, W = x.shape
    C = CLASSES
    # x_1 = x.transpose(1,2).reshape(B, 128*H, 1, W); grouped 1x1 conv, groups=H
    xt = jnp.transpose(x, (0, 2, 1, 3))  # [B, H, 128, W]
    Wc = conv_c_w.reshape(H, C, 128)
    bc = conv_c_b.reshape(H, C)
    cls = jnp.einsum('bhiw,hki->bhkw', xt, Wc) + bc[None, :, :, None]
    cls = leaky(cls)  # [B, H, C, W]
    # x_gt branch (training path)
    cls_t = jnp.transpose(cls, (0, 2, 1, 3))  # [B, C, H, W]
    probs = jax.nn.softmax(cls_t, axis=1)
    inds = jnp.clip((x_gt * C).astype(jnp.int64), 0, C - 1)  # [B, 1, H, W]
    gt = inds[:, 0]  # [B, H, W]
    # F.cross_entropy applied to softmax-ed values (faithful to original)
    logp = jax.nn.log_softmax(probs, axis=1)
    loss_class = -jnp.take_along_axis(logp, gt[:, None, :, :], axis=1)[:, 0]
    # expert index per pixel: class index offset by row
    offset = jnp.arange(H, dtype=jnp.int64)[None, None, :, None]
    inds_full = (inds + offset * C).reshape(-1).astype(jnp.int32)  # [B*H*W]
    # CondMul chain: y[i] = x[i] @ W[inds[i]]
    x2 = jnp.transpose(x, (0, 2, 3, 1)).reshape(-1, 128)  # [B*H*W, 128]
    y = leaky(jnp.einsum('ni,nio->no', x2, jnp.take(w1, inds_full, axis=0)))
    y = leaky(jnp.einsum('ni,nio->no', y, jnp.take(w2, inds_full, axis=0)))
    y = leaky(jnp.einsum('ni,nio->no', y, jnp.take(wrc, inds_full, axis=0)))
    y = y.reshape(Bn, H, W, 2)
    y = jnp.transpose(y, (0, 3, 1, 2))  # [B, 2, H, W]
    mask = y[:, 1]
    reg = y[:, 0]
    # calc_x_pos (note: broadcasting [B,1,H,W] + [B,H,W] -> [B,B,H,W], faithful to torch)
    x_out = inds.astype(jnp.float32) * (1.0 / C) + reg * (1.0 / C)
    return (x_out, mask, loss_class)

if __name__ == "__main__":
    import jax
    _d = setup_inputs()
    print(jax.jit(kernel)(*tuple(_d.values())))

</pallas_src>

<mosaic_0001>
module attributes {stable_mosaic.version = 14 : i64} {
  func.func @_row_kernel(%arg0: i32, %arg1: memref<4x128x304xf32, #tpu.memory_space<vmem>>, %arg2: memref<4x1x304xf32, #tpu.memory_space<vmem>>, %arg3: memref<4x128x128xf32, #tpu.memory_space<vmem>>, %arg4: memref<4x128x1xf32, #tpu.memory_space<vmem>>, %arg5: memref<4x4096x128xf32, #tpu.memory_space<vmem>>, %arg6: memref<4x128x1024xf32, #tpu.memory_space<vmem>>, %arg7: memref<4x128x64xf32, #tpu.memory_space<vmem>>, %arg8: memref<4x2x2x152xf32, #tpu.memory_space<vmem>>, %arg9: memref<4x1x304xf32, #tpu.memory_space<vmem>>, %arg10: memref<4x1x304xf32, #tpu.memory_space<vmem>>) attributes {dimension_semantics = [#tpu.dimension_semantics<parallel>], iteration_bounds = array<i64: 28>, scalar_prefetch = 0 : i64, scratch_operands = 0 : i64, tpu.core_type = #tpu.core_type<tc>, window_params = [{transform_indices = @transform_0, window_bounds = array<i64: 4, 128, 304>}, {transform_indices = @transform_1, window_bounds = array<i64: 4, 1, 304>}, {transform_indices = @transform_2, window_bounds = array<i64: 4, 128, 128>}, {transform_indices = @transform_3, window_bounds = array<i64: 4, 128, 1>}, {transform_indices = @transform_4, window_bounds = array<i64: 4, 4096, 128>}, {transform_indices = @transform_5, window_bounds = array<i64: 4, 128, 1024>}, {transform_indices = @transform_6, window_bounds = array<i64: 4, 128, 64>}, {transform_indices = @transform_7, window_bounds = array<i64: 4, 2, 2, 152>}, {transform_indices = @transform_8, window_bounds = array<i64: 4, 1, 304>}, {transform_indices = @transform_9, window_bounds = array<i64: 4, 1, 304>}]} {
    %get3A = arith.constant 0 : index
    %get3A_0 = arith.constant 0 : index
    %get3A_1 = arith.constant 0 : index
    %get3A_2 = vector.load %arg1[%get3A, %get3A_0, %get3A_1] : memref<4x128x304xf32, #tpu.memory_space<vmem>>, vector<1x128x304xf32>
    %get3A_3 = vector.shape_cast %get3A_2 : vector<1x128x304xf32> to vector<128x304xf32>
    %get3A_4 = arith.constant 0 : index
    %get3A_5 = arith.constant 0 : index
    %get3A_6 = arith.constant 0 : index
    %get3A_7 = vector.load %arg2[%get3A_4, %get3A_5, %get3A_6] : memref<4x1x304xf32, #tpu.memory_space<vmem>>, vector<1x1x304xf32>
    %get3A_8 = vector.shape_cast %get3A_7 : vector<1x1x304xf32> to vector<1x304xf32>
    %mul3A = arith.constant 1.280000e+02 : f32
    %mul3A_9 = vector.broadcast %mul3A : f32 to vector<1x304xf32>
    %mul3A_10 = arith.mulf %get3A_8, %mul3A_9 : vector<1x304xf32>
    %convert_element_type3A = arith.fptosi %mul3A_10 : vector<1x304xf32> to vector<1x304xi32>
    %jit3A = arith.constant 0 : i32
    %jit3A_11 = arith.constant 127 : i32
    %max3A = vector.broadcast %jit3A : i32 to vector<1x304xi32>
    %max3A_12 = arith.maxsi %max3A, %convert_element_type3A : vector<1x304xi32>
    %min3A = vector.broadcast %jit3A_11 : i32 to vector<1x304xi32>
    %min3A_13 = arith.minsi %min3A, %max3A_12 : vector<1x304xi32>
    %iota3A = tpu.iota {dimensions = array<i32: 0>} : vector<128x304xi32>
    %eq3A = vector.broadcast %min3A_13 : vector<1x304xi32> to vector<128x304xi32>
    %eq3A_14 = arith.cmpi eq, %iota3A, %eq3A : vector<128x304xi32>
    %convert_element_type3A_15 = arith.extui %eq3A_14 : vector<128x304xi1> to vector<128x304xi32>
    %convert_element_type3A_16 = arith.sitofp %convert_element_type3A_15 : vector<128x304xi32> to vector<128x304xf32>
    %get3A_17 = arith.constant 0 : index
    %get3A_18 = arith.constant 0 : index
    %get3A_19 = arith.constant 0 : index
    %get3A_20 = vector.load %arg3[%get3A_17, %get3A_18, %get3A_19] : memref<4x128x128xf32, #tpu.memory_space<vmem>>, vector<1x128x128xf32>
    %get3A_21 = vector.shape_cast %get3A_20 : vector<1x128x128xf32> to vector<128x128xf32>
    %dot_general3A = arith.constant dense<0.000000e+00> : vector<128x304xf32>
    %dot_general3A_22 = tpu.matmul %get3A_21, %get3A_3, %dot_general3A {dimension_numbers = #tpu.dot_dimension_numbers<[1], [0], [0], [1], [0, 0, 1, 1], [], []>, transpose_lhs_hint = false} : vector<128x128xf32>, vector<128x304xf32>, vector<128x304xf32> -> vector<128x304xf32>
    %get3A_23 = arith.constant 0 : index
    %get3A_24 = arith.constant 0 : index
    %get3A_25 = arith.constant 0 : index
    %get3A_26 = vector.load %arg4[%get3A_23, %get3A_24, %get3A_25] : memref<4x128x1xf32, #tpu.memory_space<vmem>>, vector<1x128x1xf32>
    %get3A_27 = vector.shape_cast %get3A_26 : vector<1x128x1xf32> to vector<128x1xf32>
    %add3A = vector.broadcast %get3A_27 : vector<128x1xf32> to vector<128x304xf32>
    %add3A_28 = arith.addf %dot_general3A_22, %add3A : vector<128x304xf32>
    %ge3A = arith.constant 0.000000e+00 : f32
    %ge3A_29 = vector.broadcast %ge3A : f32 to vector<128x304xf32>
    %ge3A_30 = arith.cmpf oge, %add3A_28, %ge3A_29 : vector<128x304xf32>
    %mul3A_31 = arith.constant 0.00999999977 : f32
    %mul3A_32 = vector.broadcast %mul3A_31 : f32 to vector<128x304xf32>
    %mul3A_33 = arith.mulf %mul3A_32, %add3A_28 : vector<128x304xf32>
    %select_n3A = arith.select %ge3A_30, %add3A_28, %mul3A_33 : vector<128x304xi1>, vector<128x304xf32>
    %reduce_max3A = arith.constant dense<0xFF800000> : vector<304xf32>
    %reduce_max3A_34 = vector.multi_reduction <maximumf>, %select_n3A, %reduce_max3A [0] : vector<128x304xf32> to vector<304xf32>
    %broadcast_in_dim3A = vector.shape_cast %reduce_max3A_34 : vector<304xf32> to vector<1x304xf32>
    %sub3A = vector.broadcast %broadcast_in_dim3A : vector<1x304xf32> to vector<128x304xf32>
    %sub3A_35 = arith.subf %select_n3A, %sub3A : vector<128x304xf32>
    %exp3A = math.exp %sub3A_35 : vector<128x304xf32>
    %reduce_sum3A = arith.constant dense<0.000000e+00> : vector<304xf32>
    %reduce_sum3A_36 = vector.multi_reduction <add>, %exp3A, %reduce_sum3A [0] : vector<128x304xf32> to vector<304xf32>
    %broadcast_in_dim3A_37 = vector.shape_cast %reduce_sum3A_36 : vector<304xf32> to vector<1x304xf32>
    %div3A = vector.broadcast %broadcast_in_dim3A_37 : vector<1x304xf32> to vector<128x304xf32>
    %div3A_38 = arith.divf %exp3A, %div3A : vector<128x304xf32>
    %exp3A_39 = math.exp %div3A_38 : vector<128x304xf32>
    %reduce_sum3A_40 = arith.constant dense<0.000000e+00> : vector<304xf32>
    %reduce_sum3A_41 = vector.multi_reduction <add>, %exp3A_39, %reduce_sum3A_40 [0] : vector<128x304xf32> to vector<304xf32>
    %broadcast_in_dim3A_42 = vector.shape_cast %reduce_sum3A_41 : vector<304xf32> to vector<1x304xf32>
    %log3A = math.log %broadcast_in_dim3A_42 : vector<1x304xf32>
    %mul3A_43 = arith.mulf %div3A_38, %convert_element_type3A_16 : vector<128x304xf32>
    %reduce_sum3A_44 = arith.constant dense<0.000000e+00> : vector<304xf32>
    %reduce_sum3A_45 = vector.multi_reduction <add>, %mul3A_43, %reduce_sum3A_44 [0] : vector<128x304xf32> to vector<304xf32>
    %broadcast_in_dim3A_46 = vector.shape_cast %reduce_sum3A_45 : vector<304xf32> to vector<1x304xf32>
    %sub3A_47 = arith.subf %log3A, %broadcast_in_dim3A_46 : vector<1x304xf32>
    %swap3A = arith.constant 0 : index
    %swap3A_48 = arith.constant 0 : index
    %swap3A_49 = arith.constant 0 : index
    %swap3A_50 = vector.load %arg10[%swap3A, %swap3A_48, %swap3A_49] : memref<4x1x304xf32, #tpu.memory_space<vmem>>, vector<1x1x304xf32>
    %swap3A_51 = vector.shape_cast %swap3A_50 : vector<1x1x304xf32> to vector<1x304xf32>
    %swap3A_52 = vector.shape_cast %sub3A_47 : vector<1x304xf32> to vector<1x1x304xf32>
    tpu.vector_store %arg10[%swap3A, %swap3A_48, %swap3A_49], %swap3A_52 {strides = array<i32>} : memref<4x1x304xf32, #tpu.memory_space<vmem>>, vector<1x1x304xf32>,
    %broadcast_in_dim3A_53 = arith.constant 0.000000e+00 : f32
    %broadcast_in_dim3A_54 = vector.broadcast %broadcast_in_dim3A_53 : f32 to vector<32x304xf32>
    %get3A_55 = arith.constant 0 : index
    %get3A_56 = arith.constant 0 : index
    %get3A_57 = arith.constant 0 : index
    %get3A_58 = vector.load %arg5[%get3A_55, %get3A_56, %get3A_57] : memref<4x4096x128xf32, #tpu.memory_space<vmem>>, vector<1x512x128xf32>
    %get3A_59 = vector.shape_cast %get3A_58 : vector<1x512x128xf32> to vector<512x128xf32>
    %dot_general3A_60 = arith.constant dense<0.000000e+00> : vector<512x304xf32>
    %dot_general3A_61 = tpu.matmul %get3A_59, %get3A_3, %dot_general3A_60 {dimension_numbers = #tpu.dot_dimension_numbers<[1], [0], [0], [1], [0, 0, 1, 1], [], []>, transpose_lhs_hint = false} : vector<512x128xf32>, vector<128x304xf32>, vector<512x304xf32> -> vector<512x304xf32>
    %reshape3A = vector.shape_cast %dot_general3A_61 : vector<512x304xf32> to vector<16x32x304xf32>
    %slice3A = vector.extract_strided_slice %convert_element_type3A_16 {offsets = [0, 0], sizes = [16, 304], strides = [1, 1]} : vector<128x304xf32> to vector<16x304xf32>
    %broadcast_in_dim3A_62 = vector.shape_cast %slice3A : vector<16x304xf32> to vector<16x1x304xf32>
    %mul3A_63 = vector.broadcast %broadcast_in_dim3A_62 : vector<16x1x304xf32> to vector<16x32x304xf32>
    %mul3A_64 = arith.mulf %reshape3A, %mul3A_63 : vector<16x32x304xf32>
    %reduce_sum3A_65 = arith.constant dense<0.000000e+00> : vector<32x304xf32>
    %reduce_sum3A_66 = vector.multi_reduction <add>, %mul3A_64, %reduce_sum3A_65 [0] : vector<16x32x304xf32> to vector<32x304xf32>
    %add3A_67 = arith.addf %broadcast_in_dim3A_54, %reduce_sum3A_66 : vector<32x304xf32>
    %get3A_68 = arith.constant 0 : index
    %get3A_69 = arith.constant 512 : index
    %get3A_70 = arith.constant 0 : index
    %get3A_71 = vector.load %arg5[%get3A_68, %get3A_69, %get3A_70] : memref<4x4096x128xf32, #tpu.memory_space<vmem>>, vector<1x512x128xf32>
    %get3A_72 = vector.shape_cast %get3A_71 : vector<1x512x128xf32> to vector<512x128xf32>
    %dot_general3A_73 = arith.constant dense<0.000000e+00> : vector<512x304xf32>
    %dot_general3A_74 = tpu.matmul %get3A_72, %get3A_3, %dot_general3A_73 {dimension_numbers = #tpu.dot_dimension_numbers<[1], [0], [0], [1], [0, 0, 1, 1], [], []>, transpose_lhs_hint = false} : vector<512x128xf32>, vector<128x304xf32>, vector<512x304xf32> -> vector<512x304xf32>
    %reshape3A_75 = vector.shape_cast %dot_general3A_74 : vector<512x304xf32> to vector<16x32x304xf32>
    %slice3A_76 = vector.extract_strided_slice %convert_element_type3A_16 {offsets = [16, 0], sizes = [16, 304], strides = [1, 1]} : vector<128x304xf32> to vector<16x304xf32>
    %broadcast_in_dim3A_77 = vector.shape_cast %slice3A_76 : vector<16x304xf32> to vector<16x1x304xf32>
    %mul3A_78 = vector.broadcast %broadcast_in_dim3A_77 : vector<16x1x304xf32> to vector<16x32x304xf32>
    %mul3A_79 = arith.mulf %reshape3A_75, %mul3A_78 : vector<16x32x304xf32>
    %reduce_sum3A_80 = arith.constant dense<0.000000e+00> : vector<32x304xf32>
    %reduce_sum3A_81 = vector.multi_reduction <add>, %mul3A_79, %reduce_sum3A_80 [0] : vector<16x32x304xf32> to vector<32x304xf32>
    %add3A_82 = arith.addf %add3A_67, %reduce_sum3A_81 : vector<32x304xf32>
    %get3A_83 = arith.constant 0 : index
    %get3A_84 = arith.constant 1024 : index
    %get3A_85 = arith.constant 0 : index
    %get3A_86 = vector.load %arg5[%get3A_83, %get3A_84, %get3A_85] : memref<4x4096x128xf32, #tpu.memory_space<vmem>>, vector<1x512x128xf32>
    %get3A_87 = vector.shape_cast %get3A_86 : vector<1x512x128xf32> to vector<512x128xf32>
    %dot_general3A_88 = arith.constant dense<0.000000e+00> : vector<512x304xf32>
    %dot_general3A_89 = tpu.matmul %get3A_87, %get3A_3, %dot_general3A_88 {dimension_numbers = #tpu.dot_dimension_numbers<[1], [0], [0], [1], [0, 0, 1, 1], [], []>, transpose_lhs_hint = false} : vector<512x128xf32>, vector<128x304xf32>, vector<512x304xf32> -> vector<512x304xf32>
    %reshape3A_90 = vector.shape_cast %dot_general3A_89 : vector<512x304xf32> to vector<16x32x304xf32>
    %slice3A_91 = vector.extract_strided_slice %convert_element_type3A_16 {offsets = [32, 0], sizes = [16, 304], strides = [1, 1]} : vector<128x304xf32> to vector<16x304xf32>
    %broadcast_in_dim3A_92 = vector.shape_cast %slice3A_91 : vector<16x304xf32> to vector<16x1x304xf32>
    %mul3A_93 = vector.broadcast %broadcast_in_dim3A_92 : vector<16x1x304xf32> to vector<16x32x304xf32>
    %mul3A_94 = arith.mulf %reshape3A_90, %mul3A_93 : vector<16x32x304xf32>
    %reduce_sum3A_95 = arith.constant dense<0.000000e+00> : vector<32x304xf32>
    %reduce_sum3A_96 = vector.multi_reduction <add>, %mul3A_94, %reduce_sum3A_95 [0] : vector<16x32x304xf32> to vector<32x304xf32>
    %add3A_97 = arith.addf %add3A_82, %reduce_sum3A_96 : vector<32x304xf32>
    %get3A_98 = arith.constant 0 : index
    %get3A_99 = arith.constant 1536 : index
    %get3A_100 = arith.constant 0 : index
    %get3A_101 = vector.load %arg5[%get3A_98, %get3A_99, %get3A_100] : memref<4x4096x128xf32, #tpu.memory_space<vmem>>, vector<1x512x128xf32>
    %get3A_102 = vector.shape_cast %get3A_101 : vector<1x512x128xf32> to vector<512x128xf32>
    %dot_general3A_103 = arith.constant dense<0.000000e+00> : vector<512x304xf32>
    %dot_general3A_104 = tpu.matmul %get3A_102, %get3A_3, %dot_general3A_103 {dimension_numbers = #tpu.dot_dimension_numbers<[1], [0], [0], [1], [0, 0, 1, 1], [], []>, transpose_lhs_hint = false} : vector<512x128xf32>, vector<128x304xf32>, vector<512x304xf32> -> vector<512x304xf32>
    %reshape3A_105 = vector.shape_cast %dot_general3A_104 : vector<512x304xf32> to vector<16x32x304xf32>
    %slice3A_106 = vector.extract_strided_slice %convert_element_type3A_16 {offsets = [48, 0], sizes = [16, 304], strides = [1, 1]} : vector<128x304xf32> to vector<16x304xf32>
    %broadcast_in_dim3A_107 = vector.shape_cast %slice3A_106 : vector<16x304xf32> to vector<16x1x304xf32>
    %mul3A_108 = vector.broadcast %broadcast_in_dim3A_107 : vector<16x1x304xf32> to vector<16x32x304xf32>
    %mul3A_109 = arith.mulf %reshape3A_105, %mul3A_108 : vector<16x32x304xf32>
    %reduce_sum3A_110 = arith.constant dense<0.000000e+00> : vector<32x304xf32>
    %reduce_sum3A_111 = vector.multi_reduction <add>, %mul3A_109, %reduce_sum3A_110 [0] : vector<16x32x304xf32> to vector<32x304xf32>
    %add3A_112 = arith.addf %add3A_97, %reduce_sum3A_111 : vector<32x304xf32>
    %get3A_113 = arith.constant 0 : index
    %get3A_114 = arith.constant 2048 : index
    %get3A_115 = arith.constant 0 : index
    %get3A_116 = vector.load %arg5[%get3A_113, %get3A_114, %get3A_115] : memref<4x4096x128xf32, #tpu.memory_space<vmem>>, vector<1x512x128xf32>
    %get3A_117 = vector.shape_cast %get3A_116 : vector<1x512x128xf32> to vector<512x128xf32>
    %dot_general3A_118 = arith.constant dense<0.000000e+00> : vector<512x304xf32>
    %dot_general3A_119 = tpu.matmul %get3A_117, %get3A_3, %dot_general3A_118 {dimension_numbers = #tpu.dot_dimension_numbers<[1], [0], [0], [1], [0, 0, 1, 1], [], []>, transpose_lhs_hint = false} : vector<512x128xf32>, vector<128x304xf32>, vector<512x304xf32> -> vector<512x304xf32>
    %reshape3A_120 = vector.shape_cast %dot_general3A_119 : vector<512x304xf32> to vector<16x32x304xf32>
    %slice3A_121 = vector.extract_strided_slice %convert_element_type3A_16 {offsets = [64, 0], sizes = [16, 304], strides = [1, 1]} : vector<128x304xf32> to vector<16x304xf32>
    %broadcast_in_dim3A_122 = vector.shape_cast %slice3A_121 : vector<16x304xf32> to vector<16x1x304xf32>
    %mul3A_123 = vector.broadcast %broadcast_in_dim3A_122 : vector<16x1x304xf32> to vector<16x32x304xf32>
    %mul3A_124 = arith.mulf %reshape3A_120, %mul3A_123 : vector<16x32x304xf32>
    %reduce_sum3A_125 = arith.constant dense<0.000000e+00> : vector<32x304xf32>
    %reduce_sum3A_126 = vector.multi_reduction <add>, %mul3A_124, %reduce_sum3A_125 [0] : vector<16x32x304xf32> to vector<32x304xf32>
    %add3A_127 = arith.addf %add3A_112, %reduce_sum3A_126 : vector<32x304xf32>
    %get3A_128 = arith.constant 0 : index
    %get3A_129 = arith.constant 2560 : index
    %get3A_130 = arith.constant 0 : index
    %get3A_131 = vector.load %arg5[%get3A_128, %get3A_129, %get3A_130] : memref<4x4096x128xf32, #tpu.memory_space<vmem>>, vector<1x512x128xf32>
    %get3A_132 = vector.shape_cast %get3A_131 : vector<1x512x128xf32> to vector<512x128xf32>
    %dot_general3A_133 = arith.constant dense<0.000000e+00> : vector<512x304xf32>
    %dot_general3A_134 = tpu.matmul %get3A_132, %get3A_3, %dot_general3A_133 {dimension_numbers = #tpu.dot_dimension_numbers<[1], [0], [0], [1], [0, 0, 1, 1], [], []>, transpose_lhs_hint = false} : vector<512x128xf32>, vector<128x304xf32>, vector<512x304xf32> -> vector<512x304xf32>
    %reshape3A_135 = vector.shape_cast %dot_general3A_134 : vector<512x304xf32> to vector<16x32x304xf32>
    %slice3A_136 = vector.extract_strided_slice %convert_element_type3A_16 {offsets = [80, 0], sizes = [16, 304], strides = [1, 1]} : vector<128x304xf32> to vector<16x304xf32>
    %broadcast_in_dim3A_137 = vector.shape_cast %slice3A_136 : vector<16x304xf32> to vector<16x1x304xf32>
    %mul3A_138 = vector.broadcast %broadcast_in_dim3A_137 : vector<16x1x304xf32> to vector<16x32x304xf32>
    %mul3A_139 = arith.mulf %reshape3A_135, %mul3A_138 : vector<16x32x304xf32>
    %reduce_sum3A_140 = arith.constant dense<0.000000e+00> : vector<32x304xf32>
    %reduce_sum3A_141 = vector.multi_reduction <add>, %mul3A_139, %reduce_sum3A_140 [0] : vector<16x32x304xf32> to vector<32x304xf32>
    %add3A_142 = arith.addf %add3A_127, %reduce_sum3A_141 : vector<32x304xf32>
    %get3A_143 = arith.constant 0 : index
    %get3A_144 = arith.constant 3072 : index
    %get3A_145 = arith.constant 0 : index
    %get3A_146 = vector.load %arg5[%get3A_143, %get3A_144, %get3A_145] : memref<4x4096x128xf32, #tpu.memory_space<vmem>>, vector<1x512x128xf32>
    %get3A_147 = vector.shape_cast %get3A_146 : vector<1x512x128xf32> to vector<512x128xf32>
    %dot_general3A_148 = arith.constant dense<0.000000e+00> : vector<512x304xf32>
    %dot_general3A_149 = tpu.matmul %get3A_147, %get3A_3, %dot_general3A_148 {dimension_numbers = #tpu.dot_dimension_numbers<[1], [0], [0], [1], [0, 0, 1, 1], [], []>, transpose_lhs_hint = false} : vector<512x128xf32>, vector<128x304xf32>, vector<512x304xf32> -> vector<512x304xf32>
    %reshape3A_150 = vector.shape_cast %dot_general3A_149 : vector<512x304xf32> to vector<16x32x304xf32>
    %slice3A_151 = vector.extract_strided_slice %convert_element_type3A_16 {offsets = [96, 0], sizes = [16, 304], strides = [1, 1]} : vector<128x304xf32> to vector<16x304xf32>
    %broadcast_in_dim3A_152 = vector.shape_cast %slice3A_151 : vector<16x304xf32> to vector<16x1x304xf32>
    %mul3A_153 = vector.broadcast %broadcast_in_dim3A_152 : vector<16x1x304xf32> to vector<16x32x304xf32>
    %mul3A_154 = arith.mulf %reshape3A_150, %mul3A_153 : vector<16x32x304xf32>
    %reduce_sum3A_155 = arith.constant dense<0.000000e+00> : vector<32x304xf32>
    %reduce_sum3A_156 = vector.multi_reduction <add>, %mul3A_154, %reduce_sum3A_155 [0] : vector<16x32x304xf32> to vector<32x304xf32>
    %add3A_157 = arith.addf %add3A_142, %reduce_sum3A_156 : vector<32x304xf32>
    %get3A_158 = arith.constant 0 : index
    %get3A_159 = arith.constant 3584 : index
    %get3A_160 = arith.constant 0 : index
    %get3A_161 = vector.load %arg5[%get3A_158, %get3A_159, %get3A_160] : memref<4x4096x128xf32, #tpu.memory_space<vmem>>, vector<1x512x128xf32>
    %get3A_162 = vector.shape_cast %get3A_161 : vector<1x512x128xf32> to vector<512x128xf32>
    %dot_general3A_163 = arith.constant dense<0.000000e+00> : vector<512x304xf32>
    %dot_general3A_164 = tpu.matmul %get3A_162, %get3A_3, %dot_general3A_163 {dimension_numbers = #tpu.dot_dimension_numbers<[1], [0], [0], [1], [0, 0, 1, 1], [], []>, transpose_lhs_hint = false} : vector<512x128xf32>, vector<128x304xf32>, vector<512x304xf32> -> vector<512x304xf32>
    %reshape3A_165 = vector.shape_cast %dot_general3A_164 : vector<512x304xf32> to vector<16x32x304xf32>
    %slice3A_166 = vector.extract_strided_slice %convert_element_type3A_16 {offsets = [112, 0], sizes = [16, 304], strides = [1, 1]} : vector<128x304xf32> to vector<16x304xf32>
    %broadcast_in_dim3A_167 = vector.shape_cast %slice3A_166 : vector<16x304xf32> to vector<16x1x304xf32>
    %mul3A_168 = vector.broadcast %broadcast_in_dim3A_167 : vector<16x1x304xf32> to vector<16x32x304xf32>
    %mul3A_169 = arith.mulf %reshape3A_165, %mul3A_168 : vector<16x32x304xf32>
    %reduce_sum3A_170 = arith.constant dense<0.000000e+00> : vector<32x304xf32>
    %reduce_sum3A_171 = vector.multi_reduction <add>, %mul3A_169, %reduce_sum3A_170 [0] : vector<16x32x304xf32> to vector<32x304xf32>
    %add3A_172 = arith.addf %add3A_157, %reduce_sum3A_171 : vector<32x304xf32>
    %ge3A_173 = arith.constant 0.000000e+00 : f32
    %ge3A_174 = vector.broadcast %ge3A_173 : f32 to vector<32x304xf32>
    %ge3A_175 = arith.cmpf oge, %add3A_172, %ge3A_174 : vector<32x304xf32>
    %mul3A_176 = arith.constant 0.00999999977 : f32
    %mul3A_177 = vector.broadcast %mul3A_176 : f32 to vector<32x304xf32>
    %mul3A_178 = arith.mulf %mul3A_177, %add3A_172 : vector<32x304xf32>
    %select_n3A_179 = arith.select %ge3A_175, %add3A_172, %mul3A_178 : vector<32x304xi1>, vector<32x304xf32>
    %get3A_180 = arith.constant 0 : index
    %get3A_181 = arith.constant 0 : index
    %get3A_182 = arith.constant 0 : index
    %get3A_183 = vector.load %arg6[%get3A_180, %get3A_181, %get3A_182] : memref<4x128x1024xf32, #tpu.memory_space<vmem>>, vector<1x128x1024xf32>
    %get3A_184 = vector.shape_cast %get3A_183 : vector<1x128x1024xf32> to vector<128x1024xf32>
    %dot_general3A_185 = arith.constant dense<0.000000e+00> : vector<1024x304xf32>
    %dot_general3A_186 = tpu.matmul %get3A_184, %convert_element_type3A_16, %dot_general3A_185 {dimension_numbers = #tpu.dot_dimension_numbers<[0], [0], [1], [1], [0, 1, 1, 1], [], []>, transpose_lhs_hint = false} : vector<128x1024xf32>, vector<128x304xf32>, vector<1024x304xf32> -> vector<1024x304xf32>
    %reshape3A_187 = vector.shape_cast %dot_general3A_186 : vector<1024x304xf32> to vector<32x32x304xf32>
    %broadcast_in_dim3A_188 = vector.shape_cast %select_n3A_179 : vector<32x304xf32> to vector<1x32x304xf32>
    %mul3A_189 = vector.broadcast %broadcast_in_dim3A_188 : vector<1x32x304xf32> to vector<32x32x304xf32>
    %mul3A_190 = arith.mulf %reshape3A_187, %mul3A_189 : vector<32x32x304xf32>
    %reduce_sum3A_191 = arith.constant dense<0.000000e+00> : vector<32x304xf32>
    %reduce_sum3A_192 = vector.multi_reduction <add>, %mul3A_190, %reduce_sum3A_191 [1] : vector<32x32x304xf32> to vector<32x304xf32>
    %ge3A_193 = arith.constant 0.000000e+00 : f32
    %ge3A_194 = vector.broadcast %ge3A_193 : f32 to vector<32x304xf32>
    %ge3A_195 = arith.cmpf oge, %reduce_sum3A_192, %ge3A_194 : vector<32x304xf32>
    %mul3A_196 = arith.constant 0.00999999977 : f32
    %mul3A_197 = vector.broadcast %mul3A_196 : f32 to vector<32x304xf32>
    %mul3A_198 = arith.mulf %mul3A_197, %reduce_sum3A_192 : vector<32x304xf32>
    %select_n3A_199 = arith.select %ge3A_195, %reduce_sum3A_192, %mul3A_198 : vector<32x304xi1>, vector<32x304xf32>
    %get3A_200 = arith.constant 0 : index
    %get3A_201 = arith.constant 0 : index
    %get3A_202 = arith.constant 0 : index
    %get3A_203 = vector.load %arg7[%get3A_200, %get3A_201, %get3A_202] : memref<4x128x64xf32, #tpu.memory_space<vmem>>, vector<1x128x64xf32>
    %get3A_204 = vector.shape_cast %get3A_203 : vector<1x128x64xf32> to vector<128x64xf32>
    %dot_general3A_205 = arith.constant dense<0.000000e+00> : vector<64x304xf32>
    %dot_general3A_206 = tpu.matmul %get3A_204, %convert_element_type3A_16, %dot_general3A_205 {dimension_numbers = #tpu.dot_dimension_numbers<[0], [0], [1], [1], [0, 1, 1, 1], [], []>, transpose_lhs_hint = false} : vector<128x64xf32>, vector<128x304xf32>, vector<64x304xf32> -> vector<64x304xf32>
    %reshape3A_207 = vector.shape_cast %dot_general3A_206 : vector<64x304xf32> to vector<2x32x304xf32>
    %broadcast_in_dim3A_208 = vector.shape_cast %select_n3A_199 : vector<32x304xf32> to vector<1x32x304xf32>
    %mul3A_209 = vector.broadcast %broadcast_in_dim3A_208 : vector<1x32x304xf32> to vector<2x32x304xf32>
    %mul3A_210 = arith.mulf %reshape3A_207, %mul3A_209 : vector<2x32x304xf32>
    %reduce_sum3A_211 = arith.constant dense<0.000000e+00> : vector<2x304xf32>
    %reduce_sum3A_212 = vector.multi_reduction <add>, %mul3A_210, %reduce_sum3A_211 [1] : vector<2x32x304xf32> to vector<2x304xf32>
    %slice3A_213 = vector.extract_strided_slice %reduce_sum3A_212 {offsets = [0, 0], sizes = [1, 304], strides = [1, 1]} : vector<2x304xf32> to vector<1x304xf32>
    %squeeze3A = vector.shape_cast %slice3A_213 : vector<1x304xf32> to vector<304xf32>
    %ge3A_214 = arith.constant 0.000000e+00 : f32
    %ge3A_215 = vector.broadcast %ge3A_214 : f32 to vector<304xf32>
    %ge3A_216 = arith.cmpf oge, %squeeze3A, %ge3A_215 : vector<304xf32>
    %mul3A_217 = arith.constant 0.00999999977 : f32
    %mul3A_218 = vector.broadcast %mul3A_217 : f32 to vector<304xf32>
    %mul3A_219 = arith.mulf %mul3A_218, %squeeze3A : vector<304xf32>
    %select_n3A_220 = arith.select %ge3A_216, %squeeze3A, %mul3A_219 : vector<304xi1>, vector<304xf32>
    %slice3A_221 = vector.extract_strided_slice %reduce_sum3A_212 {offsets = [1, 0], sizes = [1, 304], strides = [1, 1]} : vector<2x304xf32> to vector<1x304xf32>
    %squeeze3A_222 = vector.shape_cast %slice3A_221 : vector<1x304xf32> to vector<304xf32>
    %ge3A_223 = arith.constant 0.000000e+00 : f32
    %ge3A_224 = vector.broadcast %ge3A_223 : f32 to vector<304xf32>
    %ge3A_225 = arith.cmpf oge, %squeeze3A_222, %ge3A_224 : vector<304xf32>
    %mul3A_226 = arith.constant 0.00999999977 : f32
    %mul3A_227 = vector.broadcast %mul3A_226 : f32 to vector<304xf32>
    %mul3A_228 = arith.mulf %mul3A_227, %squeeze3A_222 : vector<304xf32>
    %select_n3A_229 = arith.select %ge3A_225, %squeeze3A_222, %mul3A_228 : vector<304xi1>, vector<304xf32>
    %broadcast_in_dim3A_230 = vector.shape_cast %select_n3A_229 : vector<304xf32> to vector<1x304xf32>
    %swap3A_231 = arith.constant 0 : index
    %swap3A_232 = arith.constant 0 : index
    %swap3A_233 = arith.constant 0 : index
    %swap3A_234 = vector.load %arg9[%swap3A_231, %swap3A_232, %swap3A_233] : memref<4x1x304xf32, #tpu.memory_space<vmem>>, vector<1x1x304xf32>
    %swap3A_235 = vector.shape_cast %swap3A_234 : vector<1x1x304xf32> to vector<1x304xf32>
    %swap3A_236 = vector.shape_cast %broadcast_in_dim3A_230 : vector<1x304xf32> to vector<1x1x304xf32>
    tpu.vector_store %arg9[%swap3A_231, %swap3A_232, %swap3A_233], %swap3A_236 {strides = array<i32>} : memref<4x1x304xf32, #tpu.memory_space<vmem>>, vector<1x1x304xf32>,
    %squeeze3A_237 = vector.shape_cast %min3A_13 : vector<1x304xi32> to vector<304xi32>
    %convert_element_type3A_238 = arith.sitofp %squeeze3A_237 : vector<304xi32> to vector<304xf32>
    %slice3A_239 = vector.extract_strided_slice %convert_element_type3A_238 {offsets = [0], sizes = [152], strides = [1]} : vector<304xf32> to vector<152xf32>
    %mul3A_240 = arith.constant 7.812500e-03 : f32
    %mul3A_241 = vector.broadcast %mul3A_240 : f32 to vector<152xf32>
    %mul3A_242 = arith.mulf %slice3A_239, %mul3A_241 : vector<152xf32>
    %slice3A_243 = vector.extract_strided_slice %select_n3A_220 {offsets = [0], sizes = [152], strides = [1]} : vector<304xf32> to vector<152xf32>
    %mul3A_244 = arith.constant 7.812500e-03 : f32
    %mul3A_245 = vector.broadcast %mul3A_244 : f32 to vector<152xf32>
    %mul3A_246 = arith.mulf %slice3A_243, %mul3A_245 : vector<152xf32>
    %add3A_247 = arith.addf %mul3A_242, %mul3A_246 : vector<152xf32>
    %swap3A_248 = arith.constant 0 : index
    %swap3A_249 = arith.constant 0 : index
    %swap3A_250 = arith.constant 0 : index
    %swap3A_251 = arith.constant 0 : index
    %swap3A_252 = vector.load %arg8[%swap3A_248, %swap3A_249, %swap3A_250, %swap3A_251] : memref<4x2x2x152xf32, #tpu.memory_space<vmem>>, vector<1x1x1x152xf32>
    %swap3A_253 = vector.shape_cast %swap3A_252 : vector<1x1x1x152xf32> to vector<152xf32>
    %swap3A_254 = vector.shape_cast %add3A_247 : vector<152xf32> to vector<1x1x1x152xf32>
    tpu.vector_store %arg8[%swap3A_248, %swap3A_249, %swap3A_250, %swap3A_251], %swap3A_254 {strides = array<i32>} : memref<4x2x2x152xf32, #tpu.memory_space<vmem>>, vector<1x1x1x152xf32>,
    %slice3A_255 = vector.extract_strided_slice %convert_element_type3A_238 {offsets = [0], sizes = [152], strides = [1]} : vector<304xf32> to vector<152xf32>
    %mul3A_256 = arith.constant 7.812500e-03 : f32
    %mul3A_257 = vector.broadcast %mul3A_256 : f32 to vector<152xf32>
    %mul3A_258 = arith.mulf %slice3A_255, %mul3A_257 : vector<152xf32>
    %slice3A_259 = vector.extract_strided_slice %select_n3A_220 {offsets = [152], sizes = [152], strides = [1]} : vector<304xf32> to vector<152xf32>
    %mul3A_260 = arith.constant 7.812500e-03 : f32
    %mul3A_261 = vector.broadcast %mul3A_260 : f32 to vector<152xf32>
    %mul3A_262 = arith.mulf %slice3A_259, %mul3A_261 : vector<152xf32>
    %add3A_263 = arith.addf %mul3A_258, %mul3A_262 : vector<152xf32>
    %swap3A_264 = arith.constant 0 : index
    %swap3A_265 = arith.constant 0 : index
    %swap3A_266 = arith.constant 1 : index
    %swap3A_267 = arith.constant 0 : index
    %swap3A_268 = vector.load %arg8[%swap3A_264, %swap3A_265, %swap3A_266, %swap3A_267] : memref<4x2x2x152xf32, #tpu.memory_space<vmem>>, vector<1x1x1x152xf32>
    %swap3A_269 = vector.shape_cast %swap3A_268 : vector<1x1x1x152xf32> to vector<152xf32>
    %swap3A_270 = vector.shape_cast %add3A_263 : vector<152xf32> to vector<1x1x1x152xf32>
    tpu.vector_store %arg8[%swap3A_264, %swap3A_265, %swap3A_266, %swap3A_267], %swap3A_270 {strides = array<i32>} : memref<4x2x2x152xf32, #tpu.memory_space<vmem>>, vector<1x1x1x152xf32>,
    %slice3A_271 = vector.extract_strided_slice %convert_element_type3A_238 {offsets = [152], sizes = [152], strides = [1]} : vector<304xf32> to vector<152xf32>
    %mul3A_272 = arith.constant 7.812500e-03 : f32
    %mul3A_273 = vector.broadcast %mul3A_272 : f32 to vector<152xf32>
    %mul3A_274 = arith.mulf %slice3A_271, %mul3A_273 : vector<152xf32>
    %slice3A_275 = vector.extract_strided_slice %select_n3A_220 {offsets = [0], sizes = [152], strides = [1]} : vector<304xf32> to vector<152xf32>
    %mul3A_276 = arith.constant 7.812500e-03 : f32
    %mul3A_277 = vector.broadcast %mul3A_276 : f32 to vector<152xf32>
    %mul3A_278 = arith.mulf %slice3A_275, %mul3A_277 : vector<152xf32>
    %add3A_279 = arith.addf %mul3A_274, %mul3A_278 : vector<152xf32>
    %swap3A_280 = arith.constant 0 : index
    %swap3A_281 = arith.constant 1 : index
    %swap3A_282 = arith.constant 0 : index
    %swap3A_283 = arith.constant 0 : index
    %swap3A_284 = vector.load %arg8[%swap3A_280, %swap3A_281, %swap3A_282, %swap3A_283] : memref<4x2x2x152xf32, #tpu.memory_space<vmem>>, vector<1x1x1x152xf32>
    %swap3A_285 = vector.shape_cast %swap3A_284 : vector<1x1x1x152xf32> to vector<152xf32>
    %swap3A_286 = vector.shape_cast %add3A_279 : vector<152xf32> to vector<1x1x1x152xf32>
    tpu.vector_store %arg8[%swap3A_280, %swap3A_281, %swap3A_282, %swap3A_283], %swap3A_286 {strides = array<i32>} : memref<4x2x2x152xf32, #tpu.memory_space<vmem>>, vector<1x1x1x152xf32>,
    %slice3A_287 = vector.extract_strided_slice %convert_element_type3A_238 {offsets = [152], sizes = [152], strides = [1]} : vector<304xf32> to vector<152xf32>
    %mul3A_288 = arith.constant 7.812500e-03 : f32
    %mul3A_289 = vector.broadcast %mul3A_288 : f32 to vector<152xf32>
    %mul3A_290 = arith.mulf %slice3A_287, %mul3A_289 : vector<152xf32>
    %slice3A_291 = vector.extract_strided_slice %select_n3A_220 {offsets = [152], sizes = [152], strides = [1]} : vector<304xf32> to vector<152xf32>
    %mul3A_292 = arith.constant 7.812500e-03 : f32
    %mul3A_293 = vector.broadcast %mul3A_292 : f32 to vector<152xf32>
    %mul3A_294 = arith.mulf %slice3A_291, %mul3A_293 : vector<152xf32>
    %add3A_295 = arith.addf %mul3A_290, %mul3A_294 : vector<152xf32>
    %swap3A_296 = arith.constant 0 : index
    %swap3A_297 = arith.constant 1 : index
    %swap3A_298 = arith.constant 1 : index
    %swap3A_299 = arith.constant 0 : index
    %swap3A_300 = vector.load %arg8[%swap3A_296, %swap3A_297, %swap3A_298, %swap3A_299] : memref<4x2x2x152xf32, #tpu.memory_space<vmem>>, vector<1x1x1x152xf32>
    %swap3A_301 = vector.shape_cast %swap3A_300 : vector<1x1x1x152xf32> to vector<152xf32>
    %swap3A_302 = vector.shape_cast %add3A_295 : vector<152xf32> to vector<1x1x1x152xf32>
    tpu.vector_store %arg8[%swap3A_296, %swap3A_297, %swap3A_298, %swap3A_299], %swap3A_302 {strides = array<i32>} : memref<4x2x2x152xf32, #tpu.memory_space<vmem>>, vector<1x1x1x152xf32>,
    %get3A_303 = arith.constant 1 : index
    %get3A_304 = arith.constant 0 : index
    %get3A_305 = arith.constant 0 : index
    %get3A_306 = vector.load %arg1[%get3A_303, %get3A_304, %get3A_305] : memref<4x128x304xf32, #tpu.memory_space<vmem>>, vector<1x128x304xf32>
    %get3A_307 = vector.shape_cast %get3A_306 : vector<1x128x304xf32> to vector<128x304xf32>
    %get3A_308 = arith.constant 1 : index
    %get3A_309 = arith.constant 0 : index
    %get3A_310 = arith.constant 0 : index
    %get3A_311 = vector.load %arg2[%get3A_308, %get3A_309, %get3A_310] : memref<4x1x304xf32, #tpu.memory_space<vmem>>, vector<1x1x304xf32>
    %get3A_312 = vector.shape_cast %get3A_311 : vector<1x1x304xf32> to vector<1x304xf32>
    %mul3A_313 = arith.constant 1.280000e+02 : f32
    %mul3A_314 = vector.broadcast %mul3A_313 : f32 to vector<1x304xf32>
    %mul3A_315 = arith.mulf %get3A_312, %mul3A_314 : vector<1x304xf32>
    %convert_element_type3A_316 = arith.fptosi %mul3A_315 : vector<1x304xf32> to vector<1x304xi32>
    %jit3A_317 = arith.constant 0 : i32
    %jit3A_318 = arith.constant 127 : i32
    %max3A_319 = vector.broadcast %jit3A_317 : i32 to vector<1x304xi32>
    %max3A_320 = arith.maxsi %max3A_319, %convert_element_type3A_316 : vector<1x304xi32>
    %min3A_321 = vector.broadcast %jit3A_318 : i32 to vector<1x304xi32>
    %min3A_322 = arith.minsi %min3A_321, %max3A_320 : vector<1x304xi32>
    %iota3A_323 = tpu.iota {dimensions = array<i32: 0>} : vector<128x304xi32>
    %eq3A_324 = vector.broadcast %min3A_322 : vector<1x304xi32> to vector<128x304xi32>
    %eq3A_325 = arith.cmpi eq, %iota3A_323, %eq3A_324 : vector<128x304xi32>
    %convert_element_type3A_326 = arith.extui %eq3A_325 : vector<128x304xi1> to vector<128x304xi32>
    %convert_element_type3A_327 = arith.sitofp %convert_element_type3A_326 : vector<128x304xi32> to vector<128x304xf32>
    %get3A_328 = arith.constant 1 : index
    %get3A_329 = arith.constant 0 : index
    %get3A_330 = arith.constant 0 : index
    %get3A_331 = vector.load %arg3[%get3A_328, %get3A_329, %get3A_330] : memref<4x128x128xf32, #tpu.memory_space<vmem>>, vector<1x128x128xf32>
    %get3A_332 = vector.shape_cast %get3A_331 : vector<1x128x128xf32> to vector<128x128xf32>
    %dot_general3A_333 = arith.constant dense<0.000000e+00> : vector<128x304xf32>
    %dot_general3A_334 = tpu.matmul %get3A_332, %get3A_307, %dot_general3A_333 {dimension_numbers = #tpu.dot_dimension_numbers<[1], [0], [0], [1], [0, 0, 1, 1], [], []>, transpose_lhs_hint = false} : vector<128x128xf32>, vector<128x304xf32>, vector<128x304xf32> -> vector<128x304xf32>
    %get3A_335 = arith.constant 1 : index
    %get3A_336 = arith.constant 0 : index
    %get3A_337 = arith.constant 0 : index
    %get3A_338 = vector.load %arg4[%get3A_335, %get3A_336, %get3A_337] : memref<4x128x1xf32, #tpu.memory_space<vmem>>, vector<1x128x1xf32>
    %get3A_339 = vector.shape_cast %get3A_338 : vector<1x128x1xf32> to vector<128x1xf32>
    %add3A_340 = vector.broadcast %get3A_339 : vector<128x1xf32> to vector<128x304xf32>
    %add3A_341 = arith.addf %dot_general3A_334, %add3A_340 : vector<128x304xf32>
    %ge3A_342 = arith.constant 0.000000e+00 : f32
    %ge3A_343 = vector.broadcast %ge3A_342 : f32 to vector<128x304xf32>
    %ge3A_344 = arith.cmpf oge, %add3A_341, %ge3A_343 : vector<128x304xf32>
    %mul3A_345 = arith.constant 0.00999999977 : f32
    %mul3A_346 = vector.broadcast %mul3A_345 : f32 to vector<128x304xf32>
    %mul3A_347 = arith.mulf %mul3A_346, %add3A_341 : vector<128x304xf32>
    %select_n3A_348 = arith.select %ge3A_344, %add3A_341, %mul3A_347 : vector<128x304xi1>, vector<128x304xf32>
    %reduce_max3A_349 = arith.constant dense<0xFF800000> : vector<304xf32>
    %reduce_max3A_350 = vector.multi_reduction <maximumf>, %select_n3A_348, %reduce_max3A_349 [0] : vector<128x304xf32> to vector<304xf32>
    %broadcast_in_dim3A_351 = vector.shape_cast %reduce_max3A_350 : vector<304xf32> to vector<1x304xf32>
    %sub3A_352 = vector.broadcast %broadcast_in_dim3A_351 : vector<1x304xf32> to vector<128x304xf32>
    %sub3A_353 = arith.subf %select_n3A_348, %sub3A_352 : vector<128x304xf32>
    %exp3A_354 = math.exp %sub3A_353 : vector<128x304xf32>
    %reduce_sum3A_355 = arith.constant dense<0.000000e+00> : vector<304xf32>
    %reduce_sum3A_356 = vector.multi_reduction <add>, %exp3A_354, %reduce_sum3A_355 [0] : vector<128x304xf32> to vector<304xf32>
    %broadcast_in_dim3A_357 = vector.shape_cast %reduce_sum3A_356 : vector<304xf32> to vector<1x304xf32>
    %div3A_358 = vector.broadcast %broadcast_in_dim3A_357 : vector<1x304xf32> to vector<128x304xf32>
    %div3A_359 = arith.divf %exp3A_354, %div3A_358 : vector<128x304xf32>
    %exp3A_360 = math.exp %div3A_359 : vector<128x304xf32>
    %reduce_sum3A_361 = arith.constant dense<0.000000e+00> : vector<304xf32>
    %reduce_sum3A_362 = vector.multi_reduction <add>, %exp3A_360, %reduce_sum3A_361 [0] : vector<128x304xf32> to vector<304xf32>
    %broadcast_in_dim3A_363 = vector.shape_cast %reduce_sum3A_362 : vector<304xf32> to vector<1x304xf32>
    %log3A_364 = math.log %broadcast_in_dim3A_363 : vector<1x304xf32>
    %mul3A_365 = arith.mulf %div3A_359, %convert_element_type3A_327 : vector<128x304xf32>
    %reduce_sum3A_366 = arith.constant dense<0.000000e+00> : vector<304xf32>
    %reduce_sum3A_367 = vector.multi_reduction <add>, %mul3A_365, %reduce_sum3A_366 [0] : vector<128x304xf32> to vector<304xf32>
    %broadcast_in_dim3A_368 = vector.shape_cast %reduce_sum3A_367 : vector<304xf32> to vector<1x304xf32>
    %sub3A_369 = arith.subf %log3A_364, %broadcast_in_dim3A_368 : vector<1x304xf32>
    %swap3A_370 = arith.constant 1 : index
    %swap3A_371 = arith.constant 0 : index
    %swap3A_372 = arith.constant 0 : index
    %swap3A_373 = vector.load %arg10[%swap3A_370, %swap3A_371, %swap3A_372] : memref<4x1x304xf32, #tpu.memory_space<vmem>>, vector<1x1x304xf32>
    %swap3A_374 = vector.shape_cast %swap3A_373 : vector<1x1x304xf32> to vector<1x304xf32>
    %swap3A_375 = vector.shape_cast %sub3A_369 : vector<1x304xf32> to vector<1x1x304xf32>
    tpu.vector_store %arg10[%swap3A_370, %swap3A_371, %swap3A_372], %swap3A_375 {strides = array<i32>} : memref<4x1x304xf32, #tpu.memory_space<vmem>>, vector<1x1x304xf32>,
    %broadcast_in_dim3A_376 = arith.constant 0.000000e+00 : f32
    %broadcast_in_dim3A_377 = vector.broadcast %broadcast_in_dim3A_376 : f32 to vector<32x304xf32>
    %get3A_378 = arith.constant 1 : index
    %get3A_379 = arith.constant 0 : index
    %get3A_380 = arith.constant 0 : index
    %get3A_381 = vector.load %arg5[%get3A_378, %get3A_379, %get3A_380] : memref<4x4096x128xf32, #tpu.memory_space<vmem>>, vector<1x512x128xf32>
    %get3A_382 = vector.shape_cast %get3A_381 : vector<1x512x128xf32> to vector<512x128xf32>
    %dot_general3A_383 = arith.constant dense<0.000000e+00> : vector<512x304xf32>
    %dot_general3A_384 = tpu.matmul %get3A_382, %get3A_307, %dot_general3A_383 {dimension_numbers = #tpu.dot_dimension_numbers<[1], [0], [0], [1], [0, 0, 1, 1], [], []>, transpose_lhs_hint = false} : vector<512x128xf32>, vector<128x304xf32>, vector<512x304xf32> -> vector<512x304xf32>
    %reshape3A_385 = vector.shape_cast %dot_general3A_384 : vector<512x304xf32> to vector<16x32x304xf32>
    %slice3A_386 = vector.extract_strided_slice %convert_element_type3A_327 {offsets = [0, 0], sizes = [16, 304], strides = [1, 1]} : vector<128x304xf32> to vector<16x304xf32>
    %broadcast_in_dim3A_387 = vector.shape_cast %slice3A_386 : vector<16x304xf32> to vector<16x1x304xf32>
    %mul3A_388 = vector.broadcast %broadcast_in_dim3A_387 : vector<16x1x304xf32> to vector<16x32x304xf32>
    %mul3A_389 = arith.mulf %reshape3A_385, %mul3A_388 : vector<16x32x304xf32>
    %reduce_sum3A_390 = arith.constant dense<0.000000e+00> : vector<32x304xf32>
    %reduce_sum3A_391 = vector.multi_reduction <add>, %mul3A_389, %reduce_sum3A_390 [0] : vector<16x32x304xf32> to vector<32x304xf32>
    %add3A_392 = arith.addf %broadcast_in_dim3A_377, %reduce_sum3A_391 : vector<32x304xf32>
    %get3A_393 = arith.constant 1 : index
    %get3A_394 = arith.constant 512 : index
    %get3A_395 = arith.constant 0 : index
    %get3A_396 = vector.load %arg5[%get3A_393, %get3A_394, %get3A_395] : memref<4x4096x128xf32, #tpu.memory_space<vmem>>, vector<1x512x128xf32>
    %get3A_397 = vector.shape_cast %get3A_396 : vector<1x512x128xf32> to vector<512x128xf32>
    %dot_general3A_398 = arith.constant dense<0.000000e+00> : vector<512x304xf32>
    %dot_general3A_399 = tpu.matmul %get3A_397, %get3A_307, %dot_general3A_398 {dimension_numbers = #tpu.dot_dimension_numbers<[1], [0], [0], [1], [0, 0, 1, 1], [], []>, transpose_lhs_hint = false} : vector<512x128xf32>, vector<128x304xf32>, vector<512x304xf32> -> vector<512x304xf32>
    %reshape3A_400 = vector.shape_cast %dot_general3A_399 : vector<512x304xf32> to vector<16x32x304xf32>
    %slice3A_401 = vector.extract_strided_slice %convert_element_type3A_327 {offsets = [16, 0], sizes = [16, 304], strides = [1, 1]} : vector<128x304xf32> to vector<16x304xf32>
    %broadcast_in_dim3A_402 = vector.shape_cast %slice3A_401 : vector<16x304xf32> to vector<16x1x304xf32>
    %mul3A_403 = vector.broadcast %broadcast_in_dim3A_402 : vector<16x1x304xf32> to vector<16x32x304xf32>
    %mul3A_404 = arith.mulf %reshape3A_400, %mul3A_403 : vector<16x32x304xf32>
    %reduce_sum3A_405 = arith.constant dense<0.000000e+00> : vector<32x304xf32>
    %reduce_sum3A_406 = vector.multi_reduction <add>, %mul3A_404, %reduce_sum3A_405 [0] : vector<16x32x304xf32> to vector<32x304xf32>
    %add3A_407 = arith.addf %add3A_392, %reduce_sum3A_406 : vector<32x304xf32>
    %get3A_408 = arith.constant 1 : index
    %get3A_409 = arith.constant 1024 : index
    %get3A_410 = arith.constant 0 : index
    %get3A_411 = vector.load %arg5[%get3A_408, %get3A_409, %get3A_410] : memref<4x4096x128xf32, #tpu.memory_space<vmem>>, vector<1x512x128xf32>
    %get3A_412 = vector.shape_cast %get3A_411 : vector<1x512x128xf32> to vector<512x128xf32>
    %dot_general3A_413 = arith.constant dense<0.000000e+00> : vector<512x304xf32>
    %dot_general3A_414 = tpu.matmul %get3A_412, %get3A_307, %dot_general3A_413 {dimension_numbers = #tpu.dot_dimension_numbers<[1], [0], [0], [1], [0, 0, 1, 1], [], []>, transpose_lhs_hint = false} : vector<512x128xf32>, vector<128x304xf32>, vector<512x304xf32> -> vector<512x304xf32>
    %reshape3A_415 = vector.shape_cast %dot_general3A_414 : vector<512x304xf32> to vector<16x32x304xf32>
    %slice3A_416 = vector.extract_strided_slice %convert_element_type3A_327 {offsets = [32, 0], sizes = [16, 304], strides = [1, 1]} : vector<128x304xf32> to vector<16x304xf32>
    %broadcast_in_dim3A_417 = vector.shape_cast %slice3A_416 : vector<16x304xf32> to vector<16x1x304xf32>
    %mul3A_418 = vector.broadcast %broadcast_in_dim3A_417 : vector<16x1x304xf32> to vector<16x32x304xf32>
    %mul3A_419 = arith.mulf %reshape3A_415, %mul3A_418 : vector<16x32x304xf32>
    %reduce_sum3A_420 = arith.constant dense<0.000000e+00> : vector<32x304xf32>
    %reduce_sum3A_421 = vector.multi_reduction <add>, %mul3A_419, %reduce_sum3A_420 [0] : vector<16x32x304xf32> to vector<32x304xf32>
    %add3A_422 = arith.addf %add3A_407, %reduce_sum3A_421 : vector<32x304xf32>
    %get3A_423 = arith.constant 1 : index
    %get3A_424 = arith.constant 1536 : index
    %get3A_425 = arith.constant 0 : index
    %get3A_426 = vector.load %arg5[%get3A_423, %get3A_424, %get3A_425] : memref<4x4096x128xf32, #tpu.memory_space<vmem>>, vector<1x512x128xf32>
    %get3A_427 = vector.shape_cast %get3A_426 : vector<1x512x128xf32> to vector<512x128xf32>
    %dot_general3A_428 = arith.constant dense<0.000000e+00> : vector<512x304xf32>
    %dot_general3A_429 = tpu.matmul %get3A_427, %get3A_307, %dot_general3A_428 {dimension_numbers = #tpu.dot_dimension_numbers<[1], [0], [0], [1], [0, 0, 1, 1], [], []>, transpose_lhs_hint = false} : vector<512x128xf32>, vector<128x304xf32>, vector<512x304xf32> -> vector<512x304xf32>
    %reshape3A_430 = vector.shape_cast %dot_general3A_429 : vector<512x304xf32> to vector<16x32x304xf32>
    %slice3A_431 = vector.extract_strided_slice %convert_element_type3A_327 {offsets = [48, 0], sizes = [16, 304], strides = [1, 1]} : vector<128x304xf32> to vector<16x304xf32>
    %broadcast_in_dim3A_432 = vector.shape_cast %slice3A_431 : vector<16x304xf32> to vector<16x1x304xf32>
    %mul3A_433 = vector.broadcast %broadcast_in_dim3A_432 : vector<16x1x304xf32> to vector<16x32x304xf32>
    %mul3A_434 = arith.mulf %reshape3A_430, %mul3A_433 : vector<16x32x304xf32>
    %reduce_sum3A_435 = arith.constant dense<0.000000e+00> : vector<32x304xf32>
    %reduce_sum3A_436 = vector.multi_reduction <add>, %mul3A_434, %reduce_sum3A_435 [0] : vector<16x32x304xf32> to vector<32x304xf32>
    %add3A_437 = arith.addf %add3A_422, %reduce_sum3A_436 : vector<32x304xf32>
    %get3A_438 = arith.constant 1 : index
    %get3A_439 = arith.constant 2048 : index
    %get3A_440 = arith.constant 0 : index
    %get3A_441 = vector.load %arg5[%get3A_438, %get3A_439, %get3A_440] : memref<4x4096x128xf32, #tpu.memory_space<vmem>>, vector<1x512x128xf32>
    %get3A_442 = vector.shape_cast %get3A_441 : vector<1x512x128xf32> to vector<512x128xf32>
    %dot_general3A_443 = arith.constant dense<0.000000e+00> : vector<512x304xf32>
    %dot_general3A_444 = tpu.matmul %get3A_442, %get3A_307, %dot_general3A_443 {dimension_numbers = #tpu.dot_dimension_numbers<[1], [0], [0], [1], [0, 0, 1, 1], [], []>, transpose_lhs_hint = false} : vector<512x128xf32>, vector<128x304xf32>, vector<512x304xf32> -> vector<512x304xf32>
    %reshape3A_445 = vector.shape_cast %dot_general3A_444 : vector<512x304xf32> to vector<16x32x304xf32>
    %slice3A_446 = vector.extract_strided_slice %convert_element_type3A_327 {offsets = [64, 0], sizes = [16, 304], strides = [1, 1]} : vector<128x304xf32> to vector<16x304xf32>
    %broadcast_in_dim3A_447 = vector.shape_cast %slice3A_446 : vector<16x304xf32> to vector<16x1x304xf32>
    %mul3A_448 = vector.broadcast %broadcast_in_dim3A_447 : vector<16x1x304xf32> to vector<16x32x304xf32>
    %mul3A_449 = arith.mulf %reshape3A_445, %mul3A_448 : vector<16x32x304xf32>
    %reduce_sum3A_450 = arith.constant dense<0.000000e+00> : vector<32x304xf32>
    %reduce_sum3A_451 = vector.multi_reduction <add>, %mul3A_449, %reduce_sum3A_450 [0] : vector<16x32x304xf32> to vector<32x304xf32>
    %add3A_452 = arith.addf %add3A_437, %reduce_sum3A_451 : vector<32x304xf32>
    %get3A_453 = arith.constant 1 : index
    %get3A_454 = arith.constant 2560 : index
    %get3A_455 = arith.constant 0 : index
    %get3A_456 = vector.load %arg5[%get3A_453, %get3A_454, %get3A_455] : memref<4x4096x128xf32, #tpu.memory_space<vmem>>, vector<1x512x128xf32>
    %get3A_457 = vector.shape_cast %get3A_456 : vector<1x512x128xf32> to vector<512x128xf32>
    %dot_general3A_458 = arith.constant dense<0.000000e+00> : vector<512x304xf32>
    %dot_general3A_459 = tpu.matmul %get3A_457, %get3A_307, %dot_general3A_458 {dimension_numbers = #tpu.dot_dimension_numbers<[1], [0], [0], [1], [0, 0, 1, 1], [], []>, transpose_lhs_hint = false} : vector<512x128xf32>, vector<128x304xf32>, vector<512x304xf32> -> vector<512x304xf32>
    %reshape3A_460 = vector.shape_cast %dot_general3A_459 : vector<512x304xf32> to vector<16x32x304xf32>
    %slice3A_461 = vector.extract_strided_slice %convert_element_type3A_327 {offsets = [80, 0], sizes = [16, 304], strides = [1, 1]} : vector<128x304xf32> to vector<16x304xf32>
    %broadcast_in_dim3A_462 = vector.shape_cast %slice3A_461 : vector<16x304xf32> to vector<16x1x304xf32>
    %mul3A_463 = vector.broadcast %broadcast_in_dim3A_462 : vector<16x1x304xf32> to vector<16x32x304xf32>
    %mul3A_464 = arith.mulf %reshape3A_460, %mul3A_463 : vector<16x32x304xf32>
    %reduce_sum3A_465 = arith.constant dense<0.000000e+00> : vector<32x304xf32>
    %reduce_sum3A_466 = vector.multi_reduction <add>, %mul3A_464, %reduce_sum3A_465 [0] : vector<16x32x304xf32> to vector<32x304xf32>
    %add3A_467 = arith.addf %add3A_452, %reduce_sum3A_466 : vector<32x304xf32>
    %get3A_468 = arith.constant 1 : index
    %get3A_469 = arith.constant 3072 : index
    %get3A_470 = arith.constant 0 : index
    %get3A_471 = vector.load %arg5[%get3A_468, %get3A_469, %get3A_470] : memref<4x4096x128xf32, #tpu.memory_space<vmem>>, vector<1x512x128xf32>
    %get3A_472 = vector.shape_cast %get3A_471 : vector<1x512x128xf32> to vector<512x128xf32>
    %dot_general3A_473 = arith.constant dense<0.000000e+00> : vector<512x304xf32>
    %dot_general3A_474 = tpu.matmul %get3A_472, %get3A_307, %dot_general3A_473 {dimension_numbers = #tpu.dot_dimension_numbers<[1], [0], [0], [1], [0, 0, 1, 1], [], []>, transpose_lhs_hint = false} : vector<512x128xf32>, vector<128x304xf32>, vector<512x304xf32> -> vector<512x304xf32>
    %reshape3A_475 = vector.shape_cast %dot_general3A_474 : vector<512x304xf32> to vector<16x32x304xf32>
    %slice3A_476 = vector.extract_strided_slice %convert_element_type3A_327 {offsets = [96, 0], sizes = [16, 304], strides = [1, 1]} : vector<128x304xf32> to vector<16x304xf32>
    %broadcast_in_dim3A_477 = vector.shape_cast %slice3A_476 : vector<16x304xf32> to vector<16x1x304xf32>
    %mul3A_478 = vector.broadcast %broadcast_in_dim3A_477 : vector<16x1x304xf32> to vector<16x32x304xf32>
    %mul3A_479 = arith.mulf %reshape3A_475, %mul3A_478 : vector<16x32x304xf32>
    %reduce_sum3A_480 = arith.constant dense<0.000000e+00> : vector<32x304xf32>
    %reduce_sum3A_481 = vector.multi_reduction <add>, %mul3A_479, %reduce_sum3A_480 [0] : vector<16x32x304xf32> to vector<32x304xf32>
    %add3A_482 = arith.addf %add3A_467, %reduce_sum3A_481 : vector<32x304xf32>
    %get3A_483 = arith.constant 1 : index
    %get3A_484 = arith.constant 3584 : index
    %get3A_485 = arith.constant 0 : index
    %get3A_486 = vector.load %arg5[%get3A_483, %get3A_484, %get3A_485] : memref<4x4096x128xf32, #tpu.memory_space<vmem>>, vector<1x512x128xf32>
    %get3A_487 = vector.shape_cast %get3A_486 : vector<1x512x128xf32> to vector<512x128xf32>
    %dot_general3A_488 = arith.constant dense<0.000000e+00> : vector<512x304xf32>
    %dot_general3A_489 = tpu.matmul %get3A_487, %get3A_307, %dot_general3A_488 {dimension_numbers = #tpu.dot_dimension_numbers<[1], [0], [0], [1], [0, 0, 1, 1], [], []>, transpose_lhs_hint = false} : vector<512x128xf32>, vector<128x304xf32>, vector<512x304xf32> -> vector<512x304xf32>
    %reshape3A_490 = vector.shape_cast %dot_general3A_489 : vector<512x304xf32> to vector<16x32x304xf32>
    %slice3A_491 = vector.extract_strided_slice %convert_element_type3A_327 {offsets = [112, 0], sizes = [16, 304], strides = [1, 1]} : vector<128x304xf32> to vector<16x304xf32>
    %broadcast_in_dim3A_492 = vector.shape_cast %slice3A_491 : vector<16x304xf32> to vector<16x1x304xf32>
    %mul3A_493 = vector.broadcast %broadcast_in_dim3A_492 : vector<16x1x304xf32> to vector<16x32x304xf32>
    %mul3A_494 = arith.mulf %reshape3A_490, %mul3A_493 : vector<16x32x304xf32>
    %reduce_sum3A_495 = arith.constant dense<0.000000e+00> : vector<32x304xf32>
    %reduce_sum3A_496 = vector.multi_reduction <add>, %mul3A_494, %reduce_sum3A_495 [0] : vector<16x32x304xf32> to vector<32x304xf32>
    %add3A_497 = arith.addf %add3A_482, %reduce_sum3A_496 : vector<32x304xf32>
    %ge3A_498 = arith.constant 0.000000e+00 : f32
    %ge3A_499 = vector.broadcast %ge3A_498 : f32 to vector<32x304xf32>
    %ge3A_500 = arith.cmpf oge, %add3A_497, %ge3A_499 : vector<32x304xf32>
    %mul3A_501 = arith.constant 0.00999999977 : f32
    %mul3A_502 = vector.broadcast %mul3A_501 : f32 to vector<32x304xf32>
    %mul3A_503 = arith.mulf %mul3A_502, %add3A_497 : vector<32x304xf32>
    %select_n3A_504 = arith.select %ge3A_500, %add3A_497, %mul3A_503 : vector<32x304xi1>, vector<32x304xf32>
    %get3A_505 = arith.constant 1 : index
    %get3A_506 = arith.constant 0 : index
    %get3A_507 = arith.constant 0 : index
    %get3A_508 = vector.load %arg6[%get3A_505, %get3A_506, %get3A_507] : memref<4x128x1024xf32, #tpu.memory_space<vmem>>, vector<1x128x1024xf32>
    %get3A_509 = vector.shape_cast %get3A_508 : vector<1x128x1024xf32> to vector<128x1024xf32>
    %dot_general3A_510 = arith.constant dense<0.000000e+00> : vector<1024x304xf32>
    %dot_general3A_511 = tpu.matmul %get3A_509, %convert_element_type3A_327, %dot_general3A_510 {dimension_numbers = #tpu.dot_dimension_numbers<[0], [0], [1], [1], [0, 1, 1, 1], [], []>, transpose_lhs_hint = false} : vector<128x1024xf32>, vector<128x304xf32>, vector<1024x304xf32> -> vector<1024x304xf32>
    %reshape3A_512 = vector.shape_cast %dot_general3A_511 : vector<1024x304xf32> to vector<32x32x304xf32>
    %broadcast_in_dim3A_513 = vector.shape_cast %select_n3A_504 : vector<32x304xf32> to vector<1x32x304xf32>
    %mul3A_514 = vector.broadcast %broadcast_in_dim3A_513 : vector<1x32x304xf32> to vector<32x32x304xf32>
    %mul3A_515 = arith.mulf %reshape3A_512, %mul3A_514 : vector<32x32x304xf32>
    %reduce_sum3A_516 = arith.constant dense<0.000000e+00> : vector<32x304xf32>
    %reduce_sum3A_517 = vector.multi_reduction <add>, %mul3A_515, %reduce_sum3A_516 [1] : vector<32x32x304xf32> to vector<32x304xf32>
    %ge3A_518 = arith.constant 0.000000e+00 : f32
    %ge3A_519 = vector.broadcast %ge3A_518 : f32 to vector<32x304xf32>
    %ge3A_520 = arith.cmpf oge, %reduce_sum3A_517, %ge3A_519 : vector<32x304xf32>
    %mul3A_521 = arith.constant 0.00999999977 : f32
    %mul3A_522 = vector.broadcast %mul3A_521 : f32 to vector<32x304xf32>
    %mul3A_523 = arith.mulf %mul3A_522, %reduce_sum3A_517 : vector<32x304xf32>
    %select_n3A_524 = arith.select %ge3A_520, %reduce_sum3A_517, %mul3A_523 : vector<32x304xi1>, vector<32x304xf32>
    %get3A_525 = arith.constant 1 : index
    %get3A_526 = arith.constant 0 : index
    %get3A_527 = arith.constant 0 : index
    %get3A_528 = vector.load %arg7[%get3A_525, %get3A_526, %get3A_527] : memref<4x128x64xf32, #tpu.memory_space<vmem>>, vector<1x128x64xf32>
    %get3A_529 = vector.shape_cast %get3A_528 : vector<1x128x64xf32> to vector<128x64xf32>
    %dot_general3A_530 = arith.constant dense<0.000000e+00> : vector<64x304xf32>
    %dot_general3A_531 = tpu.matmul %get3A_529, %convert_element_type3A_327, %dot_general3A_530 {dimension_numbers = #tpu.dot_dimension_numbers<[0], [0], [1], [1], [0, 1, 1, 1], [], []>, transpose_lhs_hint = false} : vector<128x64xf32>, vector<128x304xf32>, vector<64x304xf32> -> vector<64x304xf32>
    %reshape3A_532 = vector.shape_cast %dot_general3A_531 : vector<64x304xf32> to vector<2x32x304xf32>
    %broadcast_in_dim3A_533 = vector.shape_cast %select_n3A_524 : vector<32x304xf32> to vector<1x32x304xf32>
    %mul3A_534 = vector.broadcast %broadcast_in_dim3A_533 : vector<1x32x304xf32> to vector<2x32x304xf32>
    %mul3A_535 = arith.mulf %reshape3A_532, %mul3A_534 : vector<2x32x304xf32>
    %reduce_sum3A_536 = arith.constant dense<0.000000e+00> : vector<2x304xf32>
    %reduce_sum3A_537 = vector.multi_reduction <add>, %mul3A_535, %reduce_sum3A_536 [1] : vector<2x32x304xf32> to vector<2x304xf32>
    %slice3A_538 = vector.extract_strided_slice %reduce_sum3A_537 {offsets = [0, 0], sizes = [1, 304], strides = [1, 1]} : vector<2x304xf32> to vector<1x304xf32>
    %squeeze3A_539 = vector.shape_cast %slice3A_538 : vector<1x304xf32> to vector<304xf32>
    %ge3A_540 = arith.constant 0.000000e+00 : f32
    %ge3A_541 = vector.broadcast %ge3A_540 : f32 to vector<304xf32>
    %ge3A_542 = arith.cmpf oge, %squeeze3A_539, %ge3A_541 : vector<304xf32>
    %mul3A_543 = arith.constant 0.00999999977 : f32
    %mul3A_544 = vector.broadcast %mul3A_543 : f32 to vector<304xf32>
    %mul3A_545 = arith.mulf %mul3A_544, %squeeze3A_539 : vector<304xf32>
    %select_n3A_546 = arith.select %ge3A_542, %squeeze3A_539, %mul3A_545 : vector<304xi1>, vector<304xf32>
    %slice3A_547 = vector.extract_strided_slice %reduce_sum3A_537 {offsets = [1, 0], sizes = [1, 304], strides = [1, 1]} : vector<2x304xf32> to vector<1x304xf32>
    %squeeze3A_548 = vector.shape_cast %slice3A_547 : vector<1x304xf32> to vector<304xf32>
    %ge3A_549 = arith.constant 0.000000e+00 : f32
    %ge3A_550 = vector.broadcast %ge3A_549 : f32 to vector<304xf32>
    %ge3A_551 = arith.cmpf oge, %squeeze3A_548, %ge3A_550 : vector<304xf32>
    %mul3A_552 = arith.constant 0.00999999977 : f32
    %mul3A_553 = vector.broadcast %mul3A_552 : f32 to vector<304xf32>
    %mul3A_554 = arith.mulf %mul3A_553, %squeeze3A_548 : vector<304xf32>
    %select_n3A_555 = arith.select %ge3A_551, %squeeze3A_548, %mul3A_554 : vector<304xi1>, vector<304xf32>
    %broadcast_in_dim3A_556 = vector.shape_cast %select_n3A_555 : vector<304xf32> to vector<1x304xf32>
    %swap3A_557 = arith.constant 1 : index
    %swap3A_558 = arith.constant 0 : index
    %swap3A_559 = arith.constant 0 : index
    %swap3A_560 = vector.load %arg9[%swap3A_557, %swap3A_558, %swap3A_559] : memref<4x1x304xf32, #tpu.memory_space<vmem>>, vector<1x1x304xf32>
    %swap3A_561 = vector.shape_cast %swap3A_560 : vector<1x1x304xf32> to vector<1x304xf32>
    %swap3A_562 = vector.shape_cast %broadcast_in_dim3A_556 : vector<1x304xf32> to vector<1x1x304xf32>
    tpu.vector_store %arg9[%swap3A_557, %swap3A_558, %swap3A_559], %swap3A_562 {strides = array<i32>} : memref<4x1x304xf32, #tpu.memory_space<vmem>>, vector<1x1x304xf32>,
    %squeeze3A_563 = vector.shape_cast %min3A_322 : vector<1x304xi32> to vector<304xi32>
    %convert_element_type3A_564 = arith.sitofp %squeeze3A_563 : vector<304xi32> to vector<304xf32>
    %slice3A_565 = vector.extract_strided_slice %convert_element_type3A_564 {offsets = [0], sizes = [152], strides = [1]} : vector<304xf32> to vector<152xf32>
    %mul3A_566 = arith.constant 7.812500e-03 : f32
    %mul3A_567 = vector.broadcast %mul3A_566 : f32 to vector<152xf32>
    %mul3A_568 = arith.mulf %slice3A_565, %mul3A_567 : vector<152xf32>
    %slice3A_569 = vector.extract_strided_slice %select_n3A_546 {offsets = [0], sizes = [152], strides = [1]} : vector<304xf32> to vector<152xf32>
    %mul3A_570 = arith.constant 7.812500e-03 : f32
    %mul3A_571 = vector.broadcast %mul3A_570 : f32 to vector<152xf32>
    %mul3A_572 = arith.mulf %slice3A_569, %mul3A_571 : vector<152xf32>
    %add3A_573 = arith.addf %mul3A_568, %mul3A_572 : vector<152xf32>
    %swap3A_574 = arith.constant 1 : index
    %swap3A_575 = arith.constant 0 : index
    %swap3A_576 = arith.constant 0 : index
    %swap3A_577 = arith.constant 0 : index
    %swap3A_578 = vector.load %arg8[%swap3A_574, %swap3A_575, %swap3A_576, %swap3A_577] : memref<4x2x2x152xf32, #tpu.memory_space<vmem>>, vector<1x1x1x152xf32>
    %swap3A_579 = vector.shape_cast %swap3A_578 : vector<1x1x1x152xf32> to vector<152xf32>
    %swap3A_580 = vector.shape_cast %add3A_573 : vector<152xf32> to vector<1x1x1x152xf32>
    tpu.vector_store %arg8[%swap3A_574, %swap3A_575, %swap3A_576, %swap3A_577], %swap3A_580 {strides = array<i32>} : memref<4x2x2x152xf32, #tpu.memory_space<vmem>>, vector<1x1x1x152xf32>,
    %slice3A_581 = vector.extract_strided_slice %convert_element_type3A_564 {offsets = [0], sizes = [152], strides = [1]} : vector<304xf32> to vector<152xf32>
    %mul3A_582 = arith.constant 7.812500e-03 : f32
    %mul3A_583 = vector.broadcast %mul3A_582 : f32 to vector<152xf32>
    %mul3A_584 = arith.mulf %slice3A_581, %mul3A_583 : vector<152xf32>
    %slice3A_585 = vector.extract_strided_slice %select_n3A_546 {offsets = [152], sizes = [152], strides = [1]} : vector<304xf32> to vector<152xf32>
    %mul3A_586 = arith.constant 7.812500e-03 : f32
    %mul3A_587 = vector.broadcast %mul3A_586 : f32 to vector<152xf32>
    %mul3A_588 = arith.mulf %slice3A_585, %mul3A_587 : vector<152xf32>
    %add3A_589 = arith.addf %mul3A_584, %mul3A_588 : vector<152xf32>
    %swap3A_590 = arith.constant 1 : index
    %swap3A_591 = arith.constant 0 : index
    %swap3A_592 = arith.constant 1 : index
    %swap3A_593 = arith.constant 0 : index
    %swap3A_594 = vector.load %arg8[%swap3A_590, %swap3A_591, %swap3A_592, %swap3A_593] : memref<4x2x2x152xf32, #tpu.memory_space<vmem>>, vector<1x1x1x152xf32>
    %swap3A_595 = vector.shape_cast %swap3A_594 : vector<1x1x1x152xf32> to vector<152xf32>
    %swap3A_596 = vector.shape_cast %add3A_589 : vector<152xf32> to vector<1x1x1x152xf32>
    tpu.vector_store %arg8[%swap3A_590, %swap3A_591, %swap3A_592, %swap3A_593], %swap3A_596 {strides = array<i32>} : memref<4x2x2x152xf32, #tpu.memory_space<vmem>>, vector<1x1x1x152xf32>,
    %slice3A_597 = vector.extract_strided_slice %convert_element_type3A_564 {offsets = [152], sizes = [152], strides = [1]} : vector<304xf32> to vector<152xf32>
    %mul3A_598 = arith.constant 7.812500e-03 : f32
    %mul3A_599 = vector.broadcast %mul3A_598 : f32 to vector<152xf32>
    %mul3A_600 = arith.mulf %slice3A_597, %mul3A_599 : vector<152xf32>
    %slice3A_601 = vector.extract_strided_slice %select_n3A_546 {offsets = [0], sizes = [152], strides = [1]} : vector<304xf32> to vector<152xf32>
    %mul3A_602 = arith.constant 7.812500e-03 : f32
    %mul3A_603 = vector.broadcast %mul3A_602 : f32 to vector<152xf32>
    %mul3A_604 = arith.mulf %slice3A_601, %mul3A_603 : vector<152xf32>
    %add3A_605 = arith.addf %mul3A_600, %mul3A_604 : vector<152xf32>
    %swap3A_606 = arith.constant 1 : index
    %swap3A_607 = arith.constant 1 : index
    %swap3A_608 = arith.constant 0 : index
    %swap3A_609 = arith.constant 0 : index
    %swap3A_610 = vector.load %arg8[%swap3A_606, %swap3A_607, %swap3A_608, %swap3A_609] : memref<4x2x2x152xf32, #tpu.memory_space<vmem>>, vector<1x1x1x152xf32>
    %swap3A_611 = vector.shape_cast %swap3A_610 : vector<1x1x1x152xf32> to vector<152xf32>
    %swap3A_612 = vector.shape_cast %add3A_605 : vector<152xf32> to vector<1x1x1x152xf32>
    tpu.vector_store %arg8[%swap3A_606, %swap3A_607, %swap3A_608, %swap3A_609], %swap3A_612 {strides = array<i32>} : memref<4x2x2x152xf32, #tpu.memory_space<vmem>>, vector<1x1x1x152xf32>,
    %slice3A_613 = vector.extract_strided_slice %convert_element_type3A_564 {offsets = [152], sizes = [152], strides = [1]} : vector<304xf32> to vector<152xf32>
    %mul3A_614 = arith.constant 7.812500e-03 : f32
    %mul3A_615 = vector.broadcast %mul3A_614 : f32 to vector<152xf32>
    %mul3A_616 = arith.mulf %slice3A_613, %mul3A_615 : vector<152xf32>
    %slice3A_617 = vector.extract_strided_slice %select_n3A_546 {offsets = [152], sizes = [152], strides = [1]} : vector<304xf32> to vector<152xf32>
    %mul3A_618 = arith.constant 7.812500e-03 : f32
    %mul3A_619 = vector.broadcast %mul3A_618 : f32 to vector<152xf32>
    %mul3A_620 = arith.mulf %slice3A_617, %mul3A_619 : vector<152xf32>
    %add3A_621 = arith.addf %mul3A_616, %mul3A_620 : vector<152xf32>
    %swap3A_622 = arith.constant 1 : index
    %swap3A_623 = arith.constant 1 : index
    %swap3A_624 = arith.constant 1 : index
    %swap3A_625 = arith.constant 0 : index
    %swap3A_626 = vector.load %arg8[%swap3A_622, %swap3A_623, %swap3A_624, %swap3A_625] : memref<4x2x2x152xf32, #tpu.memory_space<vmem>>, vector<1x1x1x152xf32>
    %swap3A_627 = vector.shape_cast %swap3A_626 : vector<1x1x1x152xf32> to vector<152xf32>
    %swap3A_628 = vector.shape_cast %add3A_621 : vector<152xf32> to vector<1x1x1x152xf32>
    tpu.vector_store %arg8[%swap3A_622, %swap3A_623, %swap3A_624, %swap3A_625], %swap3A_628 {strides = array<i32>} : memref<4x2x2x152xf32, #tpu.memory_space<vmem>>, vector<1x1x1x152xf32>,
    %get3A_629 = arith.constant 2 : index
    %get3A_630 = arith.constant 0 : index
    %get3A_631 = arith.constant 0 : index
    %get3A_632 = vector.load %arg1[%get3A_629, %get3A_630, %get3A_631] : memref<4x128x304xf32, #tpu.memory_space<vmem>>, vector<1x128x304xf32>
    %get3A_633 = vector.shape_cast %get3A_632 : vector<1x128x304xf32> to vector<128x304xf32>
    %get3A_634 = arith.constant 2 : index
    %get3A_635 = arith.constant 0 : index
    %get3A_636 = arith.constant 0 : index
    %get3A_637 = vector.load %arg2[%get3A_634, %get3A_635, %get3A_636] : memref<4x1x304xf32, #tpu.memory_space<vmem>>, vector<1x1x304xf32>
    %get3A_638 = vector.shape_cast %get3A_637 : vector<1x1x304xf32> to vector<1x304xf32>
    %mul3A_639 = arith.constant 1.280000e+02 : f32
    %mul3A_640 = vector.broadcast %mul3A_639 : f32 to vector<1x304xf32>
    %mul3A_641 = arith.mulf %get3A_638, %mul3A_640 : vector<1x304xf32>
    %convert_element_type3A_642 = arith.fptosi %mul3A_641 : vector<1x304xf32> to vector<1x304xi32>
    %jit3A_643 = arith.constant 0 : i32
    %jit3A_644 = arith.constant 127 : i32
    %max3A_645 = vector.broadcast %jit3A_643 : i32 to vector<1x304xi32>
    %max3A_646 = arith.maxsi %max3A_645, %convert_element_type3A_642 : vector<1x304xi32>
    %min3A_647 = vector.broadcast %jit3A_644 : i32 to vector<1x304xi32>
    %min3A_648 = arith.minsi %min3A_647, %max3A_646 : vector<1x304xi32>
    %iota3A_649 = tpu.iota {dimensions = array<i32: 0>} : vector<128x304xi32>
    %eq3A_650 = vector.broadcast %min3A_648 : vector<1x304xi32> to vector<128x304xi32>
    %eq3A_651 = arith.cmpi eq, %iota3A_649, %eq3A_650 : vector<128x304xi32>
    %convert_element_type3A_652 = arith.extui %eq3A_651 : vector<128x304xi1> to vector<128x304xi32>
    %convert_element_type3A_653 = arith.sitofp %convert_element_type3A_652 : vector<128x304xi32> to vector<128x304xf32>
    %get3A_654 = arith.constant 2 : index
    %get3A_655 = arith.constant 0 : index
    %get3A_656 = arith.constant 0 : index
    %get3A_657 = vector.load %arg3[%get3A_654, %get3A_655, %get3A_656] : memref<4x128x128xf32, #tpu.memory_space<vmem>>, vector<1x128x128xf32>
    %get3A_658 = vector.shape_cast %get3A_657 : vector<1x128x128xf32> to vector<128x128xf32>
    %dot_general3A_659 = arith.constant dense<0.000000e+00> : vector<128x304xf32>
    %dot_general3A_660 = tpu.matmul %get3A_658, %get3A_633, %dot_general3A_659 {dimension_numbers = #tpu.dot_dimension_numbers<[1], [0], [0], [1], [0, 0, 1, 1], [], []>, transpose_lhs_hint = false} : vector<128x128xf32>, vector<128x304xf32>, vector<128x304xf32> -> vector<128x304xf32>
    %get3A_661 = arith.constant 2 : index
    %get3A_662 = arith.constant 0 : index
    %get3A_663 = arith.constant 0 : index
    %get3A_664 = vector.load %arg4[%get3A_661, %get3A_662, %get3A_663] : memref<4x128x1xf32, #tpu.memory_space<vmem>>, vector<1x128x1xf32>
    %get3A_665 = vector.shape_cast %get3A_664 : vector<1x128x1xf32> to vector<128x1xf32>
    %add3A_666 = vector.broadcast %get3A_665 : vector<128x1xf32> to vector<128x304xf32>
    %add3A_667 = arith.addf %dot_general3A_660, %add3A_666 : vector<128x304xf32>
    %ge3A_668 = arith.constant 0.000000e+00 : f32
    %ge3A_669 = vector.broadcast %ge3A_668 : f32 to vector<128x304xf32>
    %ge3A_670 = arith.cmpf oge, %add3A_667, %ge3A_669 : vector<128x304xf32>
    %mul3A_671 = arith.constant 0.00999999977 : f32
    %mul3A_672 = vector.broadcast %mul3A_671 : f32 to vector<128x304xf32>
    %mul3A_673 = arith.mulf %mul3A_672, %add3A_667 : vector<128x304xf32>
    %select_n3A_674 = arith.select %ge3A_670, %add3A_667, %mul3A_673 : vector<128x304xi1>, vector<128x304xf32>
    %reduce_max3A_675 = arith.constant dense<0xFF800000> : vector<304xf32>
    %reduce_max3A_676 = vector.multi_reduction <maximumf>, %select_n3A_674, %reduce_max3A_675 [0] : vector<128x304xf32> to vector<304xf32>
    %broadcast_in_dim3A_677 = vector.shape_cast %reduce_max3A_676 : vector<304xf32> to vector<1x304xf32>
    %sub3A_678 = vector.broadcast %broadcast_in_dim3A_677 : vector<1x304xf32> to vector<128x304xf32>
    %sub3A_679 = arith.subf %select_n3A_674, %sub3A_678 : vector<128x304xf32>
    %exp3A_680 = math.exp %sub3A_679 : vector<128x304xf32>
    %reduce_sum3A_681 = arith.constant dense<0.000000e+00> : vector<304xf32>
    %reduce_sum3A_682 = vector.multi_reduction <add>, %exp3A_680, %reduce_sum3A_681 [0] : vector<128x304xf32> to vector<304xf32>
    %broadcast_in_dim3A_683 = vector.shape_cast %reduce_sum3A_682 : vector<304xf32> to vector<1x304xf32>
    %div3A_684 = vector.broadcast %broadcast_in_dim3A_683 : vector<1x304xf32> to vector<128x304xf32>
    %div3A_685 = arith.divf %exp3A_680, %div3A_684 : vector<128x304xf32>
    %exp3A_686 = math.exp %div3A_685 : vector<128x304xf32>
    %reduce_sum3A_687 = arith.constant dense<0.000000e+00> : vector<304xf32>
    %reduce_sum3A_688 = vector.multi_reduction <add>, %exp3A_686, %reduce_sum3A_687 [0] : vector<128x304xf32> to vector<304xf32>
    %broadcast_in_dim3A_689 = vector.shape_cast %reduce_sum3A_688 : vector<304xf32> to vector<1x304xf32>
    %log3A_690 = math.log %broadcast_in_dim3A_689 : vector<1x304xf32>
    %mul3A_691 = arith.mulf %div3A_685, %convert_element_type3A_653 : vector<128x304xf32>
    %reduce_sum3A_692 = arith.constant dense<0.000000e+00> : vector<304xf32>
    %reduce_sum3A_693 = vector.multi_reduction <add>, %mul3A_691, %reduce_sum3A_692 [0] : vector<128x304xf32> to vector<304xf32>
    %broadcast_in_dim3A_694 = vector.shape_cast %reduce_sum3A_693 : vector<304xf32> to vector<1x304xf32>
    %sub3A_695 = arith.subf %log3A_690, %broadcast_in_dim3A_694 : vector<1x304xf32>
    %swap3A_696 = arith.constant 2 : index
    %swap3A_697 = arith.constant 0 : index
    %swap3A_698 = arith.constant 0 : index
    %swap3A_699 = vector.load %arg10[%swap3A_696, %swap3A_697, %swap3A_698] : memref<4x1x304xf32, #tpu.memory_space<vmem>>, vector<1x1x304xf32>
    %swap3A_700 = vector.shape_cast %swap3A_699 : vector<1x1x304xf32> to vector<1x304xf32>
    %swap3A_701 = vector.shape_cast %sub3A_695 : vector<1x304xf32> to vector<1x1x304xf32>
    tpu.vector_store %arg10[%swap3A_696, %swap3A_697, %swap3A_698], %swap3A_701 {strides = array<i32>} : memref<4x1x304xf32, #tpu.memory_space<vmem>>, vector<1x1x304xf32>,
    %broadcast_in_dim3A_702 = arith.constant 0.000000e+00 : f32
    %broadcast_in_dim3A_703 = vector.broadcast %broadcast_in_dim3A_702 : f32 to vector<32x304xf32>
    %get3A_704 = arith.constant 2 : index
    %get3A_705 = arith.constant 0 : index
    %get3A_706 = arith.constant 0 : index
    %get3A_707 = vector.load %arg5[%get3A_704, %get3A_705, %get3A_706] : memref<4x4096x128xf32, #tpu.memory_space<vmem>>, vector<1x512x128xf32>
    %get3A_708 = vector.shape_cast %get3A_707 : vector<1x512x128xf32> to vector<512x128xf32>
    %dot_general3A_709 = arith.constant dense<0.000000e+00> : vector<512x304xf32>
    %dot_general3A_710 = tpu.matmul %get3A_708, %get3A_633, %dot_general3A_709 {dimension_numbers = #tpu.dot_dimension_numbers<[1], [0], [0], [1], [0, 0, 1, 1], [], []>, transpose_lhs_hint = false} : vector<512x128xf32>, vector<128x304xf32>, vector<512x304xf32> -> vector<512x304xf32>
    %reshape3A_711 = vector.shape_cast %dot_general3A_710 : vector<512x304xf32> to vector<16x32x304xf32>
    %slice3A_712 = vector.extract_strided_slice %convert_element_type3A_653 {offsets = [0, 0], sizes = [16, 304], strides = [1, 1]} : vector<128x304xf32> to vector<16x304xf32>
    %broadcast_in_dim3A_713 = vector.shape_cast %slice3A_712 : vector<16x304xf32> to vector<16x1x304xf32>
    %mul3A_714 = vector.broadcast %broadcast_in_dim3A_713 : vector<16x1x304xf32> to vector<16x32x304xf32>
    %mul3A_715 = arith.mulf %reshape3A_711, %mul3A_714 : vector<16x32x304xf32>
    %reduce_sum3A_716 = arith.constant dense<0.000000e+00> : vector<32x304xf32>
    %reduce_sum3A_717 = vector.multi_reduction <add>, %mul3A_715, %reduce_sum3A_716 [0] : vector<16x32x304xf32> to vector<32x304xf32>
    %add3A_718 = arith.addf %broadcast_in_dim3A_703, %reduce_sum3A_717 : vector<32x304xf32>
    %get3A_719 = arith.constant 2 : index
    %get3A_720 = arith.constant 512 : index
    %get3A_721 = arith.constant 0 : index
    %get3A_722 = vector.load %arg5[%get3A_719, %get3A_720, %get3A_721] : memref<4x4096x128xf32, #tpu.memory_space<vmem>>, vector<1x512x128xf32>
    %get3A_723 = vector.shape_cast %get3A_722 : vector<1x512x128xf32> to vector<512x128xf32>
    %dot_general3A_724 = arith.constant dense<0.000000e+00> : vector<512x304xf32>
    %dot_general3A_725 = tpu.matmul %get3A_723, %get3A_633, %dot_general3A_724 {dimension_numbers = #tpu.dot_dimension_numbers<[1], [0], [0], [1], [0, 0, 1, 1], [], []>, transpose_lhs_hint = false} : vector<512x128xf32>, vector<128x304xf32>, vector<512x304xf32> -> vector<512x304xf32>
    %reshape3A_726 = vector.shape_cast %dot_general3A_725 : vector<512x304xf32> to vector<16x32x304xf32>
    %slice3A_727 = vector.extract_strided_slice %convert_element_type3A_653 {offsets = [16, 0], sizes = [16, 304], strides = [1, 1]} : vector<128x304xf32> to vector<16x304xf32>
    %broadcast_in_dim3A_728 = vector.shape_cast %slice3A_727 : vector<16x304xf32> to vector<16x1x304xf32>
    %mul3A_729 = vector.broadcast %broadcast_in_dim3A_728 : vector<16x1x304xf32> to vector<16x32x304xf32>
    %mul3A_730 = arith.mulf %reshape3A_726, %mul3A_729 : vector<16x32x304xf32>
    %reduce_sum3A_731 = arith.constant dense<0.000000e+00> : vector<32x304xf32>
    %reduce_sum3A_732 = vector.multi_reduction <add>, %mul3A_730, %reduce_sum3A_731 [0] : vector<16x32x304xf32> to vector<32x304xf32>
    %add3A_733 = arith.addf %add3A_718, %reduce_sum3A_732 : vector<32x304xf32>
    %get3A_734 = arith.constant 2 : index
    %get3A_735 = arith.constant 1024 : index
    %get3A_736 = arith.constant 0 : index
    %get3A_737 = vector.load %arg5[%get3A_734, %get3A_735, %get3A_736] : memref<4x4096x128xf32, #tpu.memory_space<vmem>>, vector<1x512x128xf32>
    %get3A_738 = vector.shape_cast %get3A_737 : vector<1x512x128xf32> to vector<512x128xf32>
    %dot_general3A_739 = arith.constant dense<0.000000e+00> : vector<512x304xf32>
    %dot_general3A_740 = tpu.matmul %get3A_738, %get3A_633, %dot_general3A_739 {dimension_numbers = #tpu.dot_dimension_numbers<[1], [0], [0], [1], [0, 0, 1, 1], [], []>, transpose_lhs_hint = false} : vector<512x128xf32>, vector<128x304xf32>, vector<512x304xf32> -> vector<512x304xf32>
    %reshape3A_741 = vector.shape_cast %dot_general3A_740 : vector<512x304xf32> to vector<16x32x304xf32>
    %slice3A_742 = vector.extract_strided_slice %convert_element_type3A_653 {offsets = [32, 0], sizes = [16, 304], strides = [1, 1]} : vector<128x304xf32> to vector<16x304xf32>
    %broadcast_in_dim3A_743 = vector.shape_cast %slice3A_742 : vector<16x304xf32> to vector<16x1x304xf32>
    %mul3A_744 = vector.broadcast %broadcast_in_dim3A_743 : vector<16x1x304xf32> to vector<16x32x304xf32>
    %mul3A_745 = arith.mulf %reshape3A_741, %mul3A_744 : vector<16x32x304xf32>
    %reduce_sum3A_746 = arith.constant dense<0.000000e+00> : vector<32x304xf32>
    %reduce_sum3A_747 = vector.multi_reduction <add>, %mul3A_745, %reduce_sum3A_746 [0] : vector<16x32x304xf32> to vector<32x304xf32>
    %add3A_748 = arith.addf %add3A_733, %reduce_sum3A_747 : vector<32x304xf32>
    %get3A_749 = arith.constant 2 : index
    %get3A_750 = arith.constant 1536 : index
    %get3A_751 = arith.constant 0 : index
    %get3A_752 = vector.load %arg5[%get3A_749, %get3A_750, %get3A_751] : memref<4x4096x128xf32, #tpu.memory_space<vmem>>, vector<1x512x128xf32>
    %get3A_753 = vector.shape_cast %get3A_752 : vector<1x512x128xf32> to vector<512x128xf32>
    %dot_general3A_754 = arith.constant dense<0.000000e+00> : vector<512x304xf32>
    %dot_general3A_755 = tpu.matmul %get3A_753, %get3A_633, %dot_general3A_754 {dimension_numbers = #tpu.dot_dimension_numbers<[1], [0], [0], [1], [0, 0, 1, 1], [], []>, transpose_lhs_hint = false} : vector<512x128xf32>, vector<128x304xf32>, vector<512x304xf32> -> vector<512x304xf32>
    %reshape3A_756 = vector.shape_cast %dot_general3A_755 : vector<512x304xf32> to vector<16x32x304xf32>
    %slice3A_757 = vector.extract_strided_slice %convert_element_type3A_653 {offsets = [48, 0], sizes = [16, 304], strides = [1, 1]} : vector<128x304xf32> to vector<16x304xf32>
    %broadcast_in_dim3A_758 = vector.shape_cast %slice3A_757 : vector<16x304xf32> to vector<16x1x304xf32>
    %mul3A_759 = vector.broadcast %broadcast_in_dim3A_758 : vector<16x1x304xf32> to vector<16x32x304xf32>
    %mul3A_760 = arith.mulf %reshape3A_756, %mul3A_759 : vector<16x32x304xf32>
    %reduce_sum3A_761 = arith.constant dense<0.000000e+00> : vector<32x304xf32>
    %reduce_sum3A_762 = vector.multi_reduction <add>, %mul3A_760, %reduce_sum3A_761 [0] : vector<16x32x304xf32> to vector<32x304xf32>
    %add3A_763 = arith.addf %add3A_748, %reduce_sum3A_762 : vector<32x304xf32>
    %get3A_764 = arith.constant 2 : index
    %get3A_765 = arith.constant 2048 : index
    %get3A_766 = arith.constant 0 : index
    %get3A_767 = vector.load %arg5[%get3A_764, %get3A_765, %get3A_766] : memref<4x4096x128xf32, #tpu.memory_space<vmem>>, vector<1x512x128xf32>
    %get3A_768 = vector.shape_cast %get3A_767 : vector<1x512x128xf32> to vector<512x128xf32>
    %dot_general3A_769 = arith.constant dense<0.000000e+00> : vector<512x304xf32>
    %dot_general3A_770 = tpu.matmul %get3A_768, %get3A_633, %dot_general3A_769 {dimension_numbers = #tpu.dot_dimension_numbers<[1], [0], [0], [1], [0, 0, 1, 1], [], []>, transpose_lhs_hint = false} : vector<512x128xf32>, vector<128x304xf32>, vector<512x304xf32> -> vector<512x304xf32>
    %reshape3A_771 = vector.shape_cast %dot_general3A_770 : vector<512x304xf32> to vector<16x32x304xf32>
    %slice3A_772 = vector.extract_strided_slice %convert_element_type3A_653 {offsets = [64, 0], sizes = [16, 304], strides = [1, 1]} : vector<128x304xf32> to vector<16x304xf32>
    %broadcast_in_dim3A_773 = vector.shape_cast %slice3A_772 : vector<16x304xf32> to vector<16x1x304xf32>
    %mul3A_774 = vector.broadcast %broadcast_in_dim3A_773 : vector<16x1x304xf32> to vector<16x32x304xf32>
    %mul3A_775 = arith.mulf %reshape3A_771, %mul3A_774 : vector<16x32x304xf32>
    %reduce_sum3A_776 = arith.constant dense<0.000000e+00> : vector<32x304xf32>
    %reduce_sum3A_777 = vector.multi_reduction <add>, %mul3A_775, %reduce_sum3A_776 [0] : vector<16x32x304xf32> to vector<32x304xf32>
    %add3A_778 = arith.addf %add3A_763, %reduce_sum3A_777 : vector<32x304xf32>
    %get3A_779 = arith.constant 2 : index
    %get3A_780 = arith.constant 2560 : index
    %get3A_781 = arith.constant 0 : index
    %get3A_782 = vector.load %arg5[%get3A_779, %get3A_780, %get3A_781] : memref<4x4096x128xf32, #tpu.memory_space<vmem>>, vector<1x512x128xf32>
    %get3A_783 = vector.shape_cast %get3A_782 : vector<1x512x128xf32> to vector<512x128xf32>
    %dot_general3A_784 = arith.constant dense<0.000000e+00> : vector<512x304xf32>
    %dot_general3A_785 = tpu.matmul %get3A_783, %get3A_633, %dot_general3A_784 {dimension_numbers = #tpu.dot_dimension_numbers<[1], [0], [0], [1], [0, 0, 1, 1], [], []>, transpose_lhs_hint = false} : vector<512x128xf32>, vector<128x304xf32>, vector<512x304xf32> -> vector<512x304xf32>
    %reshape3A_786 = vector.shape_cast %dot_general3A_785 : vector<512x304xf32> to vector<16x32x304xf32>
    %slice3A_787 = vector.extract_strided_slice %convert_element_type3A_653 {offsets = [80, 0], sizes = [16, 304], strides = [1, 1]} : vector<128x304xf32> to vector<16x304xf32>
    %broadcast_in_dim3A_788 = vector.shape_cast %slice3A_787 : vector<16x304xf32> to vector<16x1x304xf32>
    %mul3A_789 = vector.broadcast %broadcast_in_dim3A_788 : vector<16x1x304xf32> to vector<16x32x304xf32>
    %mul3A_790 = arith.mulf %reshape3A_786, %mul3A_789 : vector<16x32x304xf32>
    %reduce_sum3A_791 = arith.constant dense<0.000000e+00> : vector<32x304xf32>
    %reduce_sum3A_792 = vector.multi_reduction <add>, %mul3A_790, %reduce_sum3A_791 [0] : vector<16x32x304xf32> to vector<32x304xf32>
    %add3A_793 = arith.addf %add3A_778, %reduce_sum3A_792 : vector<32x304xf32>
    %get3A_794 = arith.constant 2 : index
    %get3A_795 = arith.constant 3072 : index
    %get3A_796 = arith.constant 0 : index
    %get3A_797 = vector.load %arg5[%get3A_794, %get3A_795, %get3A_796] : memref<4x4096x128xf32, #tpu.memory_space<vmem>>, vector<1x512x128xf32>
    %get3A_798 = vector.shape_cast %get3A_797 : vector<1x512x128xf32> to vector<512x128xf32>
    %dot_general3A_799 = arith.constant dense<0.000000e+00> : vector<512x304xf32>
    %dot_general3A_800 = tpu.matmul %get3A_798, %get3A_633, %dot_general3A_799 {dimension_numbers = #tpu.dot_dimension_numbers<[1], [0], [0], [1], [0, 0, 1, 1], [], []>, transpose_lhs_hint = false} : vector<512x128xf32>, vector<128x304xf32>, vector<512x304xf32> -> vector<512x304xf32>
    %reshape3A_801 = vector.shape_cast %dot_general3A_800 : vector<512x304xf32> to vector<16x32x304xf32>
    %slice3A_802 = vector.extract_strided_slice %convert_element_type3A_653 {offsets = [96, 0], sizes = [16, 304], strides = [1, 1]} : vector<128x304xf32> to vector<16x304xf32>
    %broadcast_in_dim3A_803 = vector.shape_cast %slice3A_802 : vector<16x304xf32> to vector<16x1x304xf32>
    %mul3A_804 = vector.broadcast %broadcast_in_dim3A_803 : vector<16x1x304xf32> to vector<16x32x304xf32>
    %mul3A_805 = arith.mulf %reshape3A_801, %mul3A_804 : vector<16x32x304xf32>
    %reduce_sum3A_806 = arith.constant dense<0.000000e+00> : vector<32x304xf32>
    %reduce_sum3A_807 = vector.multi_reduction <add>, %mul3A_805, %reduce_sum3A_806 [0] : vector<16x32x304xf32> to vector<32x304xf32>
    %add3A_808 = arith.addf %add3A_793, %reduce_sum3A_807 : vector<32x304xf32>
    %get3A_809 = arith.constant 2 : index
    %get3A_810 = arith.constant 3584 : index
    %get3A_811 = arith.constant 0 : index
    %get3A_812 = vector.load %arg5[%get3A_809, %get3A_810, %get3A_811] : memref<4x4096x128xf32, #tpu.memory_space<vmem>>, vector<1x512x128xf32>
    %get3A_813 = vector.shape_cast %get3A_812 : vector<1x512x128xf32> to vector<512x128xf32>
    %dot_general3A_814 = arith.constant dense<0.000000e+00> : vector<512x304xf32>
    %dot_general3A_815 = tpu.matmul %get3A_813, %get3A_633, %dot_general3A_814 {dimension_numbers = #tpu.dot_dimension_numbers<[1], [0], [0], [1], [0, 0, 1, 1], [], []>, transpose_lhs_hint = false} : vector<512x128xf32>, vector<128x304xf32>, vector<512x304xf32> -> vector<512x304xf32>
    %reshape3A_816 = vector.shape_cast %dot_general3A_815 : vector<512x304xf32> to vector<16x32x304xf32>
    %slice3A_817 = vector.extract_strided_slice %convert_element_type3A_653 {offsets = [112, 0], sizes = [16, 304], strides = [1, 1]} : vector<128x304xf32> to vector<16x304xf32>
    %broadcast_in_dim3A_818 = vector.shape_cast %slice3A_817 : vector<16x304xf32> to vector<16x1x304xf32>
    %mul3A_819 = vector.broadcast %broadcast_in_dim3A_818 : vector<16x1x304xf32> to vector<16x32x304xf32>
    %mul3A_820 = arith.mulf %reshape3A_816, %mul3A_819 : vector<16x32x304xf32>
    %reduce_sum3A_821 = arith.constant dense<0.000000e+00> : vector<32x304xf32>
    %reduce_sum3A_822 = vector.multi_reduction <add>, %mul3A_820, %reduce_sum3A_821 [0] : vector<16x32x304xf32> to vector<32x304xf32>
    %add3A_823 = arith.addf %add3A_808, %reduce_sum3A_822 : vector<32x304xf32>
    %ge3A_824 = arith.constant 0.000000e+00 : f32
    %ge3A_825 = vector.broadcast %ge3A_824 : f32 to vector<32x304xf32>
    %ge3A_826 = arith.cmpf oge, %add3A_823, %ge3A_825 : vector<32x304xf32>
    %mul3A_827 = arith.constant 0.00999999977 : f32
    %mul3A_828 = vector.broadcast %mul3A_827 : f32 to vector<32x304xf32>
    %mul3A_829 = arith.mulf %mul3A_828, %add3A_823 : vector<32x304xf32>
    %select_n3A_830 = arith.select %ge3A_826, %add3A_823, %mul3A_829 : vector<32x304xi1>, vector<32x304xf32>
    %get3A_831 = arith.constant 2 : index
    %get3A_832 = arith.constant 0 : index
    %get3A_833 = arith.constant 0 : index
    %get3A_834 = vector.load %arg6[%get3A_831, %get3A_832, %get3A_833] : memref<4x128x1024xf32, #tpu.memory_space<vmem>>, vector<1x128x1024xf32>
    %get3A_835 = vector.shape_cast %get3A_834 : vector<1x128x1024xf32> to vector<128x1024xf32>
    %dot_general3A_836 = arith.constant dense<0.000000e+00> : vector<1024x304xf32>
    %dot_general3A_837 = tpu.matmul %get3A_835, %convert_element_type3A_653, %dot_general3A_836 {dimension_numbers = #tpu.dot_dimension_numbers<[0], [0], [1], [1], [0, 1, 1, 1], [], []>, transpose_lhs_hint = false} : vector<128x1024xf32>, vector<128x304xf32>, vector<1024x304xf32> -> vector<1024x304xf32>
    %reshape3A_838 = vector.shape_cast %dot_general3A_837 : vector<1024x304xf32> to vector<32x32x304xf32>
    %broadcast_in_dim3A_839 = vector.shape_cast %select_n3A_830 : vector<32x304xf32> to vector<1x32x304xf32>
    %mul3A_840 = vector.broadcast %broadcast_in_dim3A_839 : vector<1x32x304xf32> to vector<32x32x304xf32>
    %mul3A_841 = arith.mulf %reshape3A_838, %mul3A_840 : vector<32x32x304xf32>
    %reduce_sum3A_842 = arith.constant dense<0.000000e+00> : vector<32x304xf32>
    %reduce_sum3A_843 = vector.multi_reduction <add>, %mul3A_841, %reduce_sum3A_842 [1] : vector<32x32x304xf32> to vector<32x304xf32>
    %ge3A_844 = arith.constant 0.000000e+00 : f32
    %ge3A_845 = vector.broadcast %ge3A_844 : f32 to vector<32x304xf32>
    %ge3A_846 = arith.cmpf oge, %reduce_sum3A_843, %ge3A_845 : vector<32x304xf32>
    %mul3A_847 = arith.constant 0.00999999977 : f32
    %mul3A_848 = vector.broadcast %mul3A_847 : f32 to vector<32x304xf32>
    %mul3A_849 = arith.mulf %mul3A_848, %reduce_sum3A_843 : vector<32x304xf32>
    %select_n3A_850 = arith.select %ge3A_846, %reduce_sum3A_843, %mul3A_849 : vector<32x304xi1>, vector<32x304xf32>
    %get3A_851 = arith.constant 2 : index
    %get3A_852 = arith.constant 0 : index
    %get3A_853 = arith.constant 0 : index
    %get3A_854 = vector.load %arg7[%get3A_851, %get3A_852, %get3A_853] : memref<4x128x64xf32, #tpu.memory_space<vmem>>, vector<1x128x64xf32>
    %get3A_855 = vector.shape_cast %get3A_854 : vector<1x128x64xf32> to vector<128x64xf32>
    %dot_general3A_856 = arith.constant dense<0.000000e+00> : vector<64x304xf32>
    %dot_general3A_857 = tpu.matmul %get3A_855, %convert_element_type3A_653, %dot_general3A_856 {dimension_numbers = #tpu.dot_dimension_numbers<[0], [0], [1], [1], [0, 1, 1, 1], [], []>, transpose_lhs_hint = false} : vector<128x64xf32>, vector<128x304xf32>, vector<64x304xf32> -> vector<64x304xf32>
    %reshape3A_858 = vector.shape_cast %dot_general3A_857 : vector<64x304xf32> to vector<2x32x304xf32>
    %broadcast_in_dim3A_859 = vector.shape_cast %select_n3A_850 : vector<32x304xf32> to vector<1x32x304xf32>
    %mul3A_860 = vector.broadcast %broadcast_in_dim3A_859 : vector<1x32x304xf32> to vector<2x32x304xf32>
    %mul3A_861 = arith.mulf %reshape3A_858, %mul3A_860 : vector<2x32x304xf32>
    %reduce_sum3A_862 = arith.constant dense<0.000000e+00> : vector<2x304xf32>
    %reduce_sum3A_863 = vector.multi_reduction <add>, %mul3A_861, %reduce_sum3A_862 [1] : vector<2x32x304xf32> to vector<2x304xf32>
    %slice3A_864 = vector.extract_strided_slice %reduce_sum3A_863 {offsets = [0, 0], sizes = [1, 304], strides = [1, 1]} : vector<2x304xf32> to vector<1x304xf32>
    %squeeze3A_865 = vector.shape_cast %slice3A_864 : vector<1x304xf32> to vector<304xf32>
    %ge3A_866 = arith.constant 0.000000e+00 : f32
    %ge3A_867 = vector.broadcast %ge3A_866 : f32 to vector<304xf32>
    %ge3A_868 = arith.cmpf oge, %squeeze3A_865, %ge3A_867 : vector<304xf32>
    %mul3A_869 = arith.constant 0.00999999977 : f32
    %mul3A_870 = vector.broadcast %mul3A_869 : f32 to vector<304xf32>
    %mul3A_871 = arith.mulf %mul3A_870, %squeeze3A_865 : vector<304xf32>
    %select_n3A_872 = arith.select %ge3A_868, %squeeze3A_865, %mul3A_871 : vector<304xi1>, vector<304xf32>
    %slice3A_873 = vector.extract_strided_slice %reduce_sum3A_863 {offsets = [1, 0], sizes = [1, 304], strides = [1, 1]} : vector<2x304xf32> to vector<1x304xf32>
    %squeeze3A_874 = vector.shape_cast %slice3A_873 : vector<1x304xf32> to vector<304xf32>
    %ge3A_875 = arith.constant 0.000000e+00 : f32
    %ge3A_876 = vector.broadcast %ge3A_875 : f32 to vector<304xf32>
    %ge3A_877 = arith.cmpf oge, %squeeze3A_874, %ge3A_876 : vector<304xf32>
    %mul3A_878 = arith.constant 0.00999999977 : f32
    %mul3A_879 = vector.broadcast %mul3A_878 : f32 to vector<304xf32>
    %mul3A_880 = arith.mulf %mul3A_879, %squeeze3A_874 : vector<304xf32>
    %select_n3A_881 = arith.select %ge3A_877, %squeeze3A_874, %mul3A_880 : vector<304xi1>, vector<304xf32>
    %broadcast_in_dim3A_882 = vector.shape_cast %select_n3A_881 : vector<304xf32> to vector<1x304xf32>
    %swap3A_883 = arith.constant 2 : index
    %swap3A_884 = arith.constant 0 : index
    %swap3A_885 = arith.constant 0 : index
    %swap3A_886 = vector.load %arg9[%swap3A_883, %swap3A_884, %swap3A_885] : memref<4x1x304xf32, #tpu.memory_space<vmem>>, vector<1x1x304xf32>
    %swap3A_887 = vector.shape_cast %swap3A_886 : vector<1x1x304xf32> to vector<1x304xf32>
    %swap3A_888 = vector.shape_cast %broadcast_in_dim3A_882 : vector<1x304xf32> to vector<1x1x304xf32>
    tpu.vector_store %arg9[%swap3A_883, %swap3A_884, %swap3A_885], %swap3A_888 {strides = array<i32>} : memref<4x1x304xf32, #tpu.memory_space<vmem>>, vector<1x1x304xf32>,
    %squeeze3A_889 = vector.shape_cast %min3A_648 : vector<1x304xi32> to vector<304xi32>
    %convert_element_type3A_890 = arith.sitofp %squeeze3A_889 : vector<304xi32> to vector<304xf32>
    %slice3A_891 = vector.extract_strided_slice %convert_element_type3A_890 {offsets = [0], sizes = [152], strides = [1]} : vector<304xf32> to vector<152xf32>
    %mul3A_892 = arith.constant 7.812500e-03 : f32
    %mul3A_893 = vector.broadcast %mul3A_892 : f32 to vector<152xf32>
    %mul3A_894 = arith.mulf %slice3A_891, %mul3A_893 : vector<152xf32>
    %slice3A_895 = vector.extract_strided_slice %select_n3A_872 {offsets = [0], sizes = [152], strides = [1]} : vector<304xf32> to vector<152xf32>
    %mul3A_896 = arith.constant 7.812500e-03 : f32
    %mul3A_897 = vector.broadcast %mul3A_896 : f32 to vector<152xf32>
    %mul3A_898 = arith.mulf %slice3A_895, %mul3A_897 : vector<152xf32>
    %add3A_899 = arith.addf %mul3A_894, %mul3A_898 : vector<152xf32>
    %swap3A_900 = arith.constant 2 : index
    %swap3A_901 = arith.constant 0 : index
    %swap3A_902 = arith.constant 0 : index
    %swap3A_903 = arith.constant 0 : index
    %swap3A_904 = vector.load %arg8[%swap3A_900, %swap3A_901, %swap3A_902, %swap3A_903] : memref<4x2x2x152xf32, #tpu.memory_space<vmem>>, vector<1x1x1x152xf32>
    %swap3A_905 = vector.shape_cast %swap3A_904 : vector<1x1x1x152xf32> to vector<152xf32>
    %swap3A_906 = vector.shape_cast %add3A_899 : vector<152xf32> to vector<1x1x1x152xf32>
    tpu.vector_store %arg8[%swap3A_900, %swap3A_901, %swap3A_902, %swap3A_903], %swap3A_906 {strides = array<i32>} : memref<4x2x2x152xf32, #tpu.memory_space<vmem>>, vector<1x1x1x152xf32>,
    %slice3A_907 = vector.extract_strided_slice %convert_element_type3A_890 {offsets = [0], sizes = [152], strides = [1]} : vector<304xf32> to vector<152xf32>
    %mul3A_908 = arith.constant 7.812500e-03 : f32
    %mul3A_909 = vector.broadcast %mul3A_908 : f32 to vector<152xf32>
    %mul3A_910 = arith.mulf %slice3A_907, %mul3A_909 : vector<152xf32>
    %slice3A_911 = vector.extract_strided_slice %select_n3A_872 {offsets = [152], sizes = [152], strides = [1]} : vector<304xf32> to vector<152xf32>
    %mul3A_912 = arith.constant 7.812500e-03 : f32
    %mul3A_913 = vector.broadcast %mul3A_912 : f32 to vector<152xf32>
    %mul3A_914 = arith.mulf %slice3A_911, %mul3A_913 : vector<152xf32>
    %add3A_915 = arith.addf %mul3A_910, %mul3A_914 : vector<152xf32>
    %swap3A_916 = arith.constant 2 : index
    %swap3A_917 = arith.constant 0 : index
    %swap3A_918 = arith.constant 1 : index
    %swap3A_919 = arith.constant 0 : index
    %swap3A_920 = vector.load %arg8[%swap3A_916, %swap3A_917, %swap3A_918, %swap3A_919] : memref<4x2x2x152xf32, #tpu.memory_space<vmem>>, vector<1x1x1x152xf32>
    %swap3A_921 = vector.shape_cast %swap3A_920 : vector<1x1x1x152xf32> to vector<152xf32>
    %swap3A_922 = vector.shape_cast %add3A_915 : vector<152xf32> to vector<1x1x1x152xf32>
    tpu.vector_store %arg8[%swap3A_916, %swap3A_917, %swap3A_918, %swap3A_919], %swap3A_922 {strides = array<i32>} : memref<4x2x2x152xf32, #tpu.memory_space<vmem>>, vector<1x1x1x152xf32>,
    %slice3A_923 = vector.extract_strided_slice %convert_element_type3A_890 {offsets = [152], sizes = [152], strides = [1]} : vector<304xf32> to vector<152xf32>
    %mul3A_924 = arith.constant 7.812500e-03 : f32
    %mul3A_925 = vector.broadcast %mul3A_924 : f32 to vector<152xf32>
    %mul3A_926 = arith.mulf %slice3A_923, %mul3A_925 : vector<152xf32>
    %slice3A_927 = vector.extract_strided_slice %select_n3A_872 {offsets = [0], sizes = [152], strides = [1]} : vector<304xf32> to vector<152xf32>
    %mul3A_928 = arith.constant 7.812500e-03 : f32
    %mul3A_929 = vector.broadcast %mul3A_928 : f32 to vector<152xf32>
    %mul3A_930 = arith.mulf %slice3A_927, %mul3A_929 : vector<152xf32>
    %add3A_931 = arith.addf %mul3A_926, %mul3A_930 : vector<152xf32>
    %swap3A_932 = arith.constant 2 : index
    %swap3A_933 = arith.constant 1 : index
    %swap3A_934 = arith.constant 0 : index
    %swap3A_935 = arith.constant 0 : index
    %swap3A_936 = vector.load %arg8[%swap3A_932, %swap3A_933, %swap3A_934, %swap3A_935] : memref<4x2x2x152xf32, #tpu.memory_space<vmem>>, vector<1x1x1x152xf32>
    %swap3A_937 = vector.shape_cast %swap3A_936 : vector<1x1x1x152xf32> to vector<152xf32>
    %swap3A_938 = vector.shape_cast %add3A_931 : vector<152xf32> to vector<1x1x1x152xf32>
    tpu.vector_store %arg8[%swap3A_932, %swap3A_933, %swap3A_934, %swap3A_935], %swap3A_938 {strides = array<i32>} : memref<4x2x2x152xf32, #tpu.memory_space<vmem>>, vector<1x1x1x152xf32>,
    %slice3A_939 = vector.extract_strided_slice %convert_element_type3A_890 {offsets = [152], sizes = [152], strides = [1]} : vector<304xf32> to vector<152xf32>
    %mul3A_940 = arith.constant 7.812500e-03 : f32
    %mul3A_941 = vector.broadcast %mul3A_940 : f32 to vector<152xf32>
    %mul3A_942 = arith.mulf %slice3A_939, %mul3A_941 : vector<152xf32>
    %slice3A_943 = vector.extract_strided_slice %select_n3A_872 {offsets = [152], sizes = [152], strides = [1]} : vector<304xf32> to vector<152xf32>
    %mul3A_944 = arith.constant 7.812500e-03 : f32
    %mul3A_945 = vector.broadcast %mul3A_944 : f32 to vector<152xf32>
    %mul3A_946 = arith.mulf %slice3A_943, %mul3A_945 : vector<152xf32>
    %add3A_947 = arith.addf %mul3A_942, %mul3A_946 : vector<152xf32>
    %swap3A_948 = arith.constant 2 : index
    %swap3A_949 = arith.constant 1 : index
    %swap3A_950 = arith.constant 1 : index
    %swap3A_951 = arith.constant 0 : index
    %swap3A_952 = vector.load %arg8[%swap3A_948, %swap3A_949, %swap3A_950, %swap3A_951] : memref<4x2x2x152xf32, #tpu.memory_space<vmem>>, vector<1x1x1x152xf32>
    %swap3A_953 = vector.shape_cast %swap3A_952 : vector<1x1x1x152xf32> to vector<152xf32>
    %swap3A_954 = vector.shape_cast %add3A_947 : vector<152xf32> to vector<1x1x1x152xf32>
    tpu.vector_store %arg8[%swap3A_948, %swap3A_949, %swap3A_950, %swap3A_951], %swap3A_954 {strides = array<i32>} : memref<4x2x2x152xf32, #tpu.memory_space<vmem>>, vector<1x1x1x152xf32>,
    %get3A_955 = arith.constant 3 : index
    %get3A_956 = arith.constant 0 : index
    %get3A_957 = arith.constant 0 : index
    %get3A_958 = vector.load %arg1[%get3A_955, %get3A_956, %get3A_957] : memref<4x128x304xf32, #tpu.memory_space<vmem>>, vector<1x128x304xf32>
    %get3A_959 = vector.shape_cast %get3A_958 : vector<1x128x304xf32> to vector<128x304xf32>
    %get3A_960 = arith.constant 3 : index
    %get3A_961 = arith.constant 0 : index
    %get3A_962 = arith.constant 0 : index
    %get3A_963 = vector.load %arg2[%get3A_960, %get3A_961, %get3A_962] : memref<4x1x304xf32, #tpu.memory_space<vmem>>, vector<1x1x304xf32>
    %get3A_964 = vector.shape_cast %get3A_963 : vector<1x1x304xf32> to vector<1x304xf32>
    %mul3A_965 = arith.constant 1.280000e+02 : f32
    %mul3A_966 = vector.broadcast %mul3A_965 : f32 to vector<1x304xf32>
    %mul3A_967 = arith.mulf %get3A_964, %mul3A_966 : vector<1x304xf32>
    %convert_element_type3A_968 = arith.fptosi %mul3A_967 : vector<1x304xf32> to vector<1x304xi32>
    %jit3A_969 = arith.constant 0 : i32
    %jit3A_970 = arith.constant 127 : i32
    %max3A_971 = vector.broadcast %jit3A_969 : i32 to vector<1x304xi32>
    %max3A_972 = arith.maxsi %max3A_971, %convert_element_type3A_968 : vector<1x304xi32>
    %min3A_973 = vector.broadcast %jit3A_970 : i32 to vector<1x304xi32>
    %min3A_974 = arith.minsi %min3A_973, %max3A_972 : vector<1x304xi32>
    %iota3A_975 = tpu.iota {dimensions = array<i32: 0>} : vector<128x304xi32>
    %eq3A_976 = vector.broadcast %min3A_974 : vector<1x304xi32> to vector<128x304xi32>
    %eq3A_977 = arith.cmpi eq, %iota3A_975, %eq3A_976 : vector<128x304xi32>
    %convert_element_type3A_978 = arith.extui %eq3A_977 : vector<128x304xi1> to vector<128x304xi32>
    %convert_element_type3A_979 = arith.sitofp %convert_element_type3A_978 : vector<128x304xi32> to vector<128x304xf32>
    %get3A_980 = arith.constant 3 : index
    %get3A_981 = arith.constant 0 : index
    %get3A_982 = arith.constant 0 : index
    %get3A_983 = vector.load %arg3[%get3A_980, %get3A_981, %get3A_982] : memref<4x128x128xf32, #tpu.memory_space<vmem>>, vector<1x128x128xf32>
    %get3A_984 = vector.shape_cast %get3A_983 : vector<1x128x128xf32> to vector<128x128xf32>
    %dot_general3A_985 = arith.constant dense<0.000000e+00> : vector<128x304xf32>
    %dot_general3A_986 = tpu.matmul %get3A_984, %get3A_959, %dot_general3A_985 {dimension_numbers = #tpu.dot_dimension_numbers<[1], [0], [0], [1], [0, 0, 1, 1], [], []>, transpose_lhs_hint = false} : vector<128x128xf32>, vector<128x304xf32>, vector<128x304xf32> -> vector<128x304xf32>
    %get3A_987 = arith.constant 3 : index
    %get3A_988 = arith.constant 0 : index
    %get3A_989 = arith.constant 0 : index
    %get3A_990 = vector.load %arg4[%get3A_987, %get3A_988, %get3A_989] : memref<4x128x1xf32, #tpu.memory_space<vmem>>, vector<1x128x1xf32>
    %get3A_991 = vector.shape_cast %get3A_990 : vector<1x128x1xf32> to vector<128x1xf32>
    %add3A_992 = vector.broadcast %get3A_991 : vector<128x1xf32> to vector<128x304xf32>
    %add3A_993 = arith.addf %dot_general3A_986, %add3A_992 : vector<128x304xf32>
    %ge3A_994 = arith.constant 0.000000e+00 : f32
    %ge3A_995 = vector.broadcast %ge3A_994 : f32 to vector<128x304xf32>
    %ge3A_996 = arith.cmpf oge, %add3A_993, %ge3A_995 : vector<128x304xf32>
    %mul3A_997 = arith.constant 0.00999999977 : f32
    %mul3A_998 = vector.broadcast %mul3A_997 : f32 to vector<128x304xf32>
    %mul3A_999 = arith.mulf %mul3A_998, %add3A_993 : vector<128x304xf32>
    %select_n3A_1000 = arith.select %ge3A_996, %add3A_993, %mul3A_999 : vector<128x304xi1>, vector<128x304xf32>
    %reduce_max3A_1001 = arith.constant dense<0xFF800000> : vector<304xf32>
    %reduce_max3A_1002 = vector.multi_reduction <maximumf>, %select_n3A_1000, %reduce_max3A_1001 [0] : vector<128x304xf32> to vector<304xf32>
    %broadcast_in_dim3A_1003 = vector.shape_cast %reduce_max3A_1002 : vector<304xf32> to vector<1x304xf32>
    %sub3A_1004 = vector.broadcast %broadcast_in_dim3A_1003 : vector<1x304xf32> to vector<128x304xf32>
    %sub3A_1005 = arith.subf %select_n3A_1000, %sub3A_1004 : vector<128x304xf32>
    %exp3A_1006 = math.exp %sub3A_1005 : vector<128x304xf32>
    %reduce_sum3A_1007 = arith.constant dense<0.000000e+00> : vector<304xf32>
    %reduce_sum3A_1008 = vector.multi_reduction <add>, %exp3A_1006, %reduce_sum3A_1007 [0] : vector<128x304xf32> to vector<304xf32>
    %broadcast_in_dim3A_1009 = vector.shape_cast %reduce_sum3A_1008 : vector<304xf32> to vector<1x304xf32>
    %div3A_1010 = vector.broadcast %broadcast_in_dim3A_1009 : vector<1x304xf32> to vector<128x304xf32>
    %div3A_1011 = arith.divf %exp3A_1006, %div3A_1010 : vector<128x304xf32>
    %exp3A_1012 = math.exp %div3A_1011 : vector<128x304xf32>
    %reduce_sum3A_1013 = arith.constant dense<0.000000e+00> : vector<304xf32>
    %reduce_sum3A_1014 = vector.multi_reduction <add>, %exp3A_1012, %reduce_sum3A_1013 [0] : vector<128x304xf32> to vector<304xf32>
    %broadcast_in_dim3A_1015 = vector.shape_cast %reduce_sum3A_1014 : vector<304xf32> to vector<1x304xf32>
    %log3A_1016 = math.log %broadcast_in_dim3A_1015 : vector<1x304xf32>
    %mul3A_1017 = arith.mulf %div3A_1011, %convert_element_type3A_979 : vector<128x304xf32>
    %reduce_sum3A_1018 = arith.constant dense<0.000000e+00> : vector<304xf32>
    %reduce_sum3A_1019 = vector.multi_reduction <add>, %mul3A_1017, %reduce_sum3A_1018 [0] : vector<128x304xf32> to vector<304xf32>
    %broadcast_in_dim3A_1020 = vector.shape_cast %reduce_sum3A_1019 : vector<304xf32> to vector<1x304xf32>
    %sub3A_1021 = arith.subf %log3A_1016, %broadcast_in_dim3A_1020 : vector<1x304xf32>
    %swap3A_1022 = arith.constant 3 : index
    %swap3A_1023 = arith.constant 0 : index
    %swap3A_1024 = arith.constant 0 : index
    %swap3A_1025 = vector.load %arg10[%swap3A_1022, %swap3A_1023, %swap3A_1024] : memref<4x1x304xf32, #tpu.memory_space<vmem>>, vector<1x1x304xf32>
    %swap3A_1026 = vector.shape_cast %swap3A_1025 : vector<1x1x304xf32> to vector<1x304xf32>
    %swap3A_1027 = vector.shape_cast %sub3A_1021 : vector<1x304xf32> to vector<1x1x304xf32>
    tpu.vector_store %arg10[%swap3A_1022, %swap3A_1023, %swap3A_1024], %swap3A_1027 {strides = array<i32>} : memref<4x1x304xf32, #tpu.memory_space<vmem>>, vector<1x1x304xf32>,
    %broadcast_in_dim3A_1028 = arith.constant 0.000000e+00 : f32
    %broadcast_in_dim3A_1029 = vector.broadcast %broadcast_in_dim3A_1028 : f32 to vector<32x304xf32>
    %get3A_1030 = arith.constant 3 : index
    %get3A_1031 = arith.constant 0 : index
    %get3A_1032 = arith.constant 0 : index
    %get3A_1033 = vector.load %arg5[%get3A_1030, %get3A_1031, %get3A_1032] : memref<4x4096x128xf32, #tpu.memory_space<vmem>>, vector<1x512x128xf32>
    %get3A_1034 = vector.shape_cast %get3A_1033 : vector<1x512x128xf32> to vector<512x128xf32>
    %dot_general3A_1035 = arith.constant dense<0.000000e+00> : vector<512x304xf32>
    %dot_general3A_1036 = tpu.matmul %get3A_1034, %get3A_959, %dot_general3A_1035 {dimension_numbers = #tpu.dot_dimension_numbers<[1], [0], [0], [1], [0, 0, 1, 1], [], []>, transpose_lhs_hint = false} : vector<512x128xf32>, vector<128x304xf32>, vector<512x304xf32> -> vector<512x304xf32>
    %reshape3A_1037 = vector.shape_cast %dot_general3A_1036 : vector<512x304xf32> to vector<16x32x304xf32>
    %slice3A_1038 = vector.extract_strided_slice %convert_element_type3A_979 {offsets = [0, 0], sizes = [16, 304], strides = [1, 1]} : vector<128x304xf32> to vector<16x304xf32>
    %broadcast_in_dim3A_1039 = vector.shape_cast %slice3A_1038 : vector<16x304xf32> to vector<16x1x304xf32>
    %mul3A_1040 = vector.broadcast %broadcast_in_dim3A_1039 : vector<16x1x304xf32> to vector<16x32x304xf32>
    %mul3A_1041 = arith.mulf %reshape3A_1037, %mul3A_1040 : vector<16x32x304xf32>
    %reduce_sum3A_1042 = arith.constant dense<0.000000e+00> : vector<32x304xf32>
    %reduce_sum3A_1043 = vector.multi_reduction <add>, %mul3A_1041, %reduce_sum3A_1042 [0] : vector<16x32x304xf32> to vector<32x304xf32>
    %add3A_1044 = arith.addf %broadcast_in_dim3A_1029, %reduce_sum3A_1043 : vector<32x304xf32>
    %get3A_1045 = arith.constant 3 : index
    %get3A_1046 = arith.constant 512 : index
    %get3A_1047 = arith.constant 0 : index
    %get3A_1048 = vector.load %arg5[%get3A_1045, %get3A_1046, %get3A_1047] : memref<4x4096x128xf32, #tpu.memory_space<vmem>>, vector<1x512x128xf32>
    %get3A_1049 = vector.shape_cast %get3A_1048 : vector<1x512x128xf32> to vector<512x128xf32>
    %dot_general3A_1050 = arith.constant dense<0.000000e+00> : vector<512x304xf32>
    %dot_general3A_1051 = tpu.matmul %get3A_1049, %get3A_959, %dot_general3A_1050 {dimension_numbers = #tpu.dot_dimension_numbers<[1], [0], [0], [1], [0, 0, 1, 1], [], []>, transpose_lhs_hint = false} : vector<512x128xf32>, vector<128x304xf32>, vector<512x304xf32> -> vector<512x304xf32>
    %reshape3A_1052 = vector.shape_cast %dot_general3A_1051 : vector<512x304xf32> to vector<16x32x304xf32>
    %slice3A_1053 = vector.extract_strided_slice %convert_element_type3A_979 {offsets = [16, 0], sizes = [16, 304], strides = [1, 1]} : vector<128x304xf32> to vector<16x304xf32>
    %broadcast_in_dim3A_1054 = vector.shape_cast %slice3A_1053 : vector<16x304xf32> to vector<16x1x304xf32>
    %mul3A_1055 = vector.broadcast %broadcast_in_dim3A_1054 : vector<16x1x304xf32> to vector<16x32x304xf32>
    %mul3A_1056 = arith.mulf %reshape3A_1052, %mul3A_1055 : vector<16x32x304xf32>
    %reduce_sum3A_1057 = arith.constant dense<0.000000e+00> : vector<32x304xf32>
    %reduce_sum3A_1058 = vector.multi_reduction <add>, %mul3A_1056, %reduce_sum3A_1057 [0] : vector<16x32x304xf32> to vector<32x304xf32>
    %add3A_1059 = arith.addf %add3A_1044, %reduce_sum3A_1058 : vector<32x304xf32>
    %get3A_1060 = arith.constant 3 : index
    %get3A_1061 = arith.constant 1024 : index
    %get3A_1062 = arith.constant 0 : index
    %get3A_1063 = vector.load %arg5[%get3A_1060, %get3A_1061, %get3A_1062] : memref<4x4096x128xf32, #tpu.memory_space<vmem>>, vector<1x512x128xf32>
    %get3A_1064 = vector.shape_cast %get3A_1063 : vector<1x512x128xf32> to vector<512x128xf32>
    %dot_general3A_1065 = arith.constant dense<0.000000e+00> : vector<512x304xf32>
    %dot_general3A_1066 = tpu.matmul %get3A_1064, %get3A_959, %dot_general3A_1065 {dimension_numbers = #tpu.dot_dimension_numbers<[1], [0], [0], [1], [0, 0, 1, 1], [], []>, transpose_lhs_hint = false} : vector<512x128xf32>, vector<128x304xf32>, vector<512x304xf32> -> vector<512x304xf32>
    %reshape3A_1067 = vector.shape_cast %dot_general3A_1066 : vector<512x304xf32> to vector<16x32x304xf32>
    %slice3A_1068 = vector.extract_strided_slice %convert_element_type3A_979 {offsets = [32, 0], sizes = [16, 304], strides = [1, 1]} : vector<128x304xf32> to vector<16x304xf32>
    %broadcast_in_dim3A_1069 = vector.shape_cast %slice3A_1068 : vector<16x304xf32> to vector<16x1x304xf32>
    %mul3A_1070 = vector.broadcast %broadcast_in_dim3A_1069 : vector<16x1x304xf32> to vector<16x32x304xf32>
    %mul3A_1071 = arith.mulf %reshape3A_1067, %mul3A_1070 : vector<16x32x304xf32>
    %reduce_sum3A_1072 = arith.constant dense<0.000000e+00> : vector<32x304xf32>
    %reduce_sum3A_1073 = vector.multi_reduction <add>, %mul3A_1071, %reduce_sum3A_1072 [0] : vector<16x32x304xf32> to vector<32x304xf32>
    %add3A_1074 = arith.addf %add3A_1059, %reduce_sum3A_1073 : vector<32x304xf32>
    %get3A_1075 = arith.constant 3 : index
    %get3A_1076 = arith.constant 1536 : index
    %get3A_1077 = arith.constant 0 : index
    %get3A_1078 = vector.load %arg5[%get3A_1075, %get3A_1076, %get3A_1077] : memref<4x4096x128xf32, #tpu.memory_space<vmem>>, vector<1x512x128xf32>
    %get3A_1079 = vector.shape_cast %get3A_1078 : vector<1x512x128xf32> to vector<512x128xf32>
    %dot_general3A_1080 = arith.constant dense<0.000000e+00> : vector<512x304xf32>
    %dot_general3A_1081 = tpu.matmul %get3A_1079, %get3A_959, %dot_general3A_1080 {dimension_numbers = #tpu.dot_dimension_numbers<[1], [0], [0], [1], [0, 0, 1, 1], [], []>, transpose_lhs_hint = false} : vector<512x128xf32>, vector<128x304xf32>, vector<512x304xf32> -> vector<512x304xf32>
    %reshape3A_1082 = vector.shape_cast %dot_general3A_1081 : vector<512x304xf32> to vector<16x32x304xf32>
    %slice3A_1083 = vector.extract_strided_slice %convert_element_type3A_979 {offsets = [48, 0], sizes = [16, 304], strides = [1, 1]} : vector<128x304xf32> to vector<16x304xf32>
    %broadcast_in_dim3A_1084 = vector.shape_cast %slice3A_1083 : vector<16x304xf32> to vector<16x1x304xf32>
    %mul3A_1085 = vector.broadcast %broadcast_in_dim3A_1084 : vector<16x1x304xf32> to vector<16x32x304xf32>
    %mul3A_1086 = arith.mulf %reshape3A_1082, %mul3A_1085 : vector<16x32x304xf32>
    %reduce_sum3A_1087 = arith.constant dense<0.000000e+00> : vector<32x304xf32>
    %reduce_sum3A_1088 = vector.multi_reduction <add>, %mul3A_1086, %reduce_sum3A_1087 [0] : vector<16x32x304xf32> to vector<32x304xf32>
    %add3A_1089 = arith.addf %add3A_1074, %reduce_sum3A_1088 : vector<32x304xf32>
    %get3A_1090 = arith.constant 3 : index
    %get3A_1091 = arith.constant 2048 : index
    %get3A_1092 = arith.constant 0 : index
    %get3A_1093 = vector.load %arg5[%get3A_1090, %get3A_1091, %get3A_1092] : memref<4x4096x128xf32, #tpu.memory_space<vmem>>, vector<1x512x128xf32>
    %get3A_1094 = vector.shape_cast %get3A_1093 : vector<1x512x128xf32> to vector<512x128xf32>
    %dot_general3A_1095 = arith.constant dense<0.000000e+00> : vector<512x304xf32>
    %dot_general3A_1096 = tpu.matmul %get3A_1094, %get3A_959, %dot_general3A_1095 {dimension_numbers = #tpu.dot_dimension_numbers<[1], [0], [0], [1], [0, 0, 1, 1], [], []>, transpose_lhs_hint = false} : vector<512x128xf32>, vector<128x304xf32>, vector<512x304xf32> -> vector<512x304xf32>
    %reshape3A_1097 = vector.shape_cast %dot_general3A_1096 : vector<512x304xf32> to vector<16x32x304xf32>
    %slice3A_1098 = vector.extract_strided_slice %convert_element_type3A_979 {offsets = [64, 0], sizes = [16, 304], strides = [1, 1]} : vector<128x304xf32> to vector<16x304xf32>
    %broadcast_in_dim3A_1099 = vector.shape_cast %slice3A_1098 : vector<16x304xf32> to vector<16x1x304xf32>
    %mul3A_1100 = vector.broadcast %broadcast_in_dim3A_1099 : vector<16x1x304xf32> to vector<16x32x304xf32>
    %mul3A_1101 = arith.mulf %reshape3A_1097, %mul3A_1100 : vector<16x32x304xf32>
    %reduce_sum3A_1102 = arith.constant dense<0.000000e+00> : vector<32x304xf32>
    %reduce_sum3A_1103 = vector.multi_reduction <add>, %mul3A_1101, %reduce_sum3A_1102 [0] : vector<16x32x304xf32> to vector<32x304xf32>
    %add3A_1104 = arith.addf %add3A_1089, %reduce_sum3A_1103 : vector<32x304xf32>
    %get3A_1105 = arith.constant 3 : index
    %get3A_1106 = arith.constant 2560 : index
    %get3A_1107 = arith.constant 0 : index
    %get3A_1108 = vector.load %arg5[%get3A_1105, %get3A_1106, %get3A_1107] : memref<4x4096x128xf32, #tpu.memory_space<vmem>>, vector<1x512x128xf32>
    %get3A_1109 = vector.shape_cast %get3A_1108 : vector<1x512x128xf32> to vector<512x128xf32>
    %dot_general3A_1110 = arith.constant dense<0.000000e+00> : vector<512x304xf32>
    %dot_general3A_1111 = tpu.matmul %get3A_1109, %get3A_959, %dot_general3A_1110 {dimension_numbers = #tpu.dot_dimension_numbers<[1], [0], [0], [1], [0, 0, 1, 1], [], []>, transpose_lhs_hint = false} : vector<512x128xf32>, vector<128x304xf32>, vector<512x304xf32> -> vector<512x304xf32>
    %reshape3A_1112 = vector.shape_cast %dot_general3A_1111 : vector<512x304xf32> to vector<16x32x304xf32>
    %slice3A_1113 = vector.extract_strided_slice %convert_element_type3A_979 {offsets = [80, 0], sizes = [16, 304], strides = [1, 1]} : vector<128x304xf32> to vector<16x304xf32>
    %broadcast_in_dim3A_1114 = vector.shape_cast %slice3A_1113 : vector<16x304xf32> to vector<16x1x304xf32>
    %mul3A_1115 = vector.broadcast %broadcast_in_dim3A_1114 : vector<16x1x304xf32> to vector<16x32x304xf32>
    %mul3A_1116 = arith.mulf %reshape3A_1112, %mul3A_1115 : vector<16x32x304xf32>
    %reduce_sum3A_1117 = arith.constant dense<0.000000e+00> : vector<32x304xf32>
    %reduce_sum3A_1118 = vector.multi_reduction <add>, %mul3A_1116, %reduce_sum3A_1117 [0] : vector<16x32x304xf32> to vector<32x304xf32>
    %add3A_1119 = arith.addf %add3A_1104, %reduce_sum3A_1118 : vector<32x304xf32>
    %get3A_1120 = arith.constant 3 : index
    %get3A_1121 = arith.constant 3072 : index
    %get3A_1122 = arith.constant 0 : index
    %get3A_1123 = vector.load %arg5[%get3A_1120, %get3A_1121, %get3A_1122] : memref<4x4096x128xf32, #tpu.memory_space<vmem>>, vector<1x512x128xf32>
    %get3A_1124 = vector.shape_cast %get3A_1123 : vector<1x512x128xf32> to vector<512x128xf32>
    %dot_general3A_1125 = arith.constant dense<0.000000e+00> : vector<512x304xf32>
    %dot_general3A_1126 = tpu.matmul %get3A_1124, %get3A_959, %dot_general3A_1125 {dimension_numbers = #tpu.dot_dimension_numbers<[1], [0], [0], [1], [0, 0, 1, 1], [], []>, transpose_lhs_hint = false} : vector<512x128xf32>, vector<128x304xf32>, vector<512x304xf32> -> vector<512x304xf32>
    %reshape3A_1127 = vector.shape_cast %dot_general3A_1126 : vector<512x304xf32> to vector<16x32x304xf32>
    %slice3A_1128 = vector.extract_strided_slice %convert_element_type3A_979 {offsets = [96, 0], sizes = [16, 304], strides = [1, 1]} : vector<128x304xf32> to vector<16x304xf32>
    %broadcast_in_dim3A_1129 = vector.shape_cast %slice3A_1128 : vector<16x304xf32> to vector<16x1x304xf32>
    %mul3A_1130 = vector.broadcast %broadcast_in_dim3A_1129 : vector<16x1x304xf32> to vector<16x32x304xf32>
    %mul3A_1131 = arith.mulf %reshape3A_1127, %mul3A_1130 : vector<16x32x304xf32>
    %reduce_sum3A_1132 = arith.constant dense<0.000000e+00> : vector<32x304xf32>
    %reduce_sum3A_1133 = vector.multi_reduction <add>, %mul3A_1131, %reduce_sum3A_1132 [0] : vector<16x32x304xf32> to vector<32x304xf32>
    %add3A_1134 = arith.addf %add3A_1119, %reduce_sum3A_1133 : vector<32x304xf32>
    %get3A_1135 = arith.constant 3 : index
    %get3A_1136 = arith.constant 3584 : index
    %get3A_1137 = arith.constant 0 : index
    %get3A_1138 = vector.load %arg5[%get3A_1135, %get3A_1136, %get3A_1137] : memref<4x4096x128xf32, #tpu.memory_space<vmem>>, vector<1x512x128xf32>
    %get3A_1139 = vector.shape_cast %get3A_1138 : vector<1x512x128xf32> to vector<512x128xf32>
    %dot_general3A_1140 = arith.constant dense<0.000000e+00> : vector<512x304xf32>
    %dot_general3A_1141 = tpu.matmul %get3A_1139, %get3A_959, %dot_general3A_1140 {dimension_numbers = #tpu.dot_dimension_numbers<[1], [0], [0], [1], [0, 0, 1, 1], [], []>, transpose_lhs_hint = false} : vector<512x128xf32>, vector<128x304xf32>, vector<512x304xf32> -> vector<512x304xf32>
    %reshape3A_1142 = vector.shape_cast %dot_general3A_1141 : vector<512x304xf32> to vector<16x32x304xf32>
    %slice3A_1143 = vector.extract_strided_slice %convert_element_type3A_979 {offsets = [112, 0], sizes = [16, 304], strides = [1, 1]} : vector<128x304xf32> to vector<16x304xf32>
    %broadcast_in_dim3A_1144 = vector.shape_cast %slice3A_1143 : vector<16x304xf32> to vector<16x1x304xf32>
    %mul3A_1145 = vector.broadcast %broadcast_in_dim3A_1144 : vector<16x1x304xf32> to vector<16x32x304xf32>
    %mul3A_1146 = arith.mulf %reshape3A_1142, %mul3A_1145 : vector<16x32x304xf32>
    %reduce_sum3A_1147 = arith.constant dense<0.000000e+00> : vector<32x304xf32>
    %reduce_sum3A_1148 = vector.multi_reduction <add>, %mul3A_1146, %reduce_sum3A_1147 [0] : vector<16x32x304xf32> to vector<32x304xf32>
    %add3A_1149 = arith.addf %add3A_1134, %reduce_sum3A_1148 : vector<32x304xf32>
    %ge3A_1150 = arith.constant 0.000000e+00 : f32
    %ge3A_1151 = vector.broadcast %ge3A_1150 : f32 to vector<32x304xf32>
    %ge3A_1152 = arith.cmpf oge, %add3A_1149, %ge3A_1151 : vector<32x304xf32>
    %mul3A_1153 = arith.constant 0.00999999977 : f32
    %mul3A_1154 = vector.broadcast %mul3A_1153 : f32 to vector<32x304xf32>
    %mul3A_1155 = arith.mulf %mul3A_1154, %add3A_1149 : vector<32x304xf32>
    %select_n3A_1156 = arith.select %ge3A_1152, %add3A_1149, %mul3A_1155 : vector<32x304xi1>, vector<32x304xf32>
    %get3A_1157 = arith.constant 3 : index
    %get3A_1158 = arith.constant 0 : index
    %get3A_1159 = arith.constant 0 : index
    %get3A_1160 = vector.load %arg6[%get3A_1157, %get3A_1158, %get3A_1159] : memref<4x128x1024xf32, #tpu.memory_space<vmem>>, vector<1x128x1024xf32>
    %get3A_1161 = vector.shape_cast %get3A_1160 : vector<1x128x1024xf32> to vector<128x1024xf32>
    %dot_general3A_1162 = arith.constant dense<0.000000e+00> : vector<1024x304xf32>
    %dot_general3A_1163 = tpu.matmul %get3A_1161, %convert_element_type3A_979, %dot_general3A_1162 {dimension_numbers = #tpu.dot_dimension_numbers<[0], [0], [1], [1], [0, 1, 1, 1], [], []>, transpose_lhs_hint = false} : vector<128x1024xf32>, vector<128x304xf32>, vector<1024x304xf32> -> vector<1024x304xf32>
    %reshape3A_1164 = vector.shape_cast %dot_general3A_1163 : vector<1024x304xf32> to vector<32x32x304xf32>
    %broadcast_in_dim3A_1165 = vector.shape_cast %select_n3A_1156 : vector<32x304xf32> to vector<1x32x304xf32>
    %mul3A_1166 = vector.broadcast %broadcast_in_dim3A_1165 : vector<1x32x304xf32> to vector<32x32x304xf32>
    %mul3A_1167 = arith.mulf %reshape3A_1164, %mul3A_1166 : vector<32x32x304xf32>
    %reduce_sum3A_1168 = arith.constant dense<0.000000e+00> : vector<32x304xf32>
    %reduce_sum3A_1169 = vector.multi_reduction <add>, %mul3A_1167, %reduce_sum3A_1168 [1] : vector<32x32x304xf32> to vector<32x304xf32>
    %ge3A_1170 = arith.constant 0.000000e+00 : f32
    %ge3A_1171 = vector.broadcast %ge3A_1170 : f32 to vector<32x304xf32>
    %ge3A_1172 = arith.cmpf oge, %reduce_sum3A_1169, %ge3A_1171 : vector<32x304xf32>
    %mul3A_1173 = arith.constant 0.00999999977 : f32
    %mul3A_1174 = vector.broadcast %mul3A_1173 : f32 to vector<32x304xf32>
    %mul3A_1175 = arith.mulf %mul3A_1174, %reduce_sum3A_1169 : vector<32x304xf32>
    %select_n3A_1176 = arith.select %ge3A_1172, %reduce_sum3A_1169, %mul3A_1175 : vector<32x304xi1>, vector<32x304xf32>
    %get3A_1177 = arith.constant 3 : index
    %get3A_1178 = arith.constant 0 : index
    %get3A_1179 = arith.constant 0 : index
    %get3A_1180 = vector.load %arg7[%get3A_1177, %get3A_1178, %get3A_1179] : memref<4x128x64xf32, #tpu.memory_space<vmem>>, vector<1x128x64xf32>
    %get3A_1181 = vector.shape_cast %get3A_1180 : vector<1x128x64xf32> to vector<128x64xf32>
    %dot_general3A_1182 = arith.constant dense<0.000000e+00> : vector<64x304xf32>
    %dot_general3A_1183 = tpu.matmul %get3A_1181, %convert_element_type3A_979, %dot_general3A_1182 {dimension_numbers = #tpu.dot_dimension_numbers<[0], [0], [1], [1], [0, 1, 1, 1], [], []>, transpose_lhs_hint = false} : vector<128x64xf32>, vector<128x304xf32>, vector<64x304xf32> -> vector<64x304xf32>
    %reshape3A_1184 = vector.shape_cast %dot_general3A_1183 : vector<64x304xf32> to vector<2x32x304xf32>
    %broadcast_in_dim3A_1185 = vector.shape_cast %select_n3A_1176 : vector<32x304xf32> to vector<1x32x304xf32>
    %mul3A_1186 = vector.broadcast %broadcast_in_dim3A_1185 : vector<1x32x304xf32> to vector<2x32x304xf32>
    %mul3A_1187 = arith.mulf %reshape3A_1184, %mul3A_1186 : vector<2x32x304xf32>
    %reduce_sum3A_1188 = arith.constant dense<0.000000e+00> : vector<2x304xf32>
    %reduce_sum3A_1189 = vector.multi_reduction <add>, %mul3A_1187, %reduce_sum3A_1188 [1] : vector<2x32x304xf32> to vector<2x304xf32>
    %slice3A_1190 = vector.extract_strided_slice %reduce_sum3A_1189 {offsets = [0, 0], sizes = [1, 304], strides = [1, 1]} : vector<2x304xf32> to vector<1x304xf32>
    %squeeze3A_1191 = vector.shape_cast %slice3A_1190 : vector<1x304xf32> to vector<304xf32>
    %ge3A_1192 = arith.constant 0.000000e+00 : f32
    %ge3A_1193 = vector.broadcast %ge3A_1192 : f32 to vector<304xf32>
    %ge3A_1194 = arith.cmpf oge, %squeeze3A_1191, %ge3A_1193 : vector<304xf32>
    %mul3A_1195 = arith.constant 0.00999999977 : f32
    %mul3A_1196 = vector.broadcast %mul3A_1195 : f32 to vector<304xf32>
    %mul3A_1197 = arith.mulf %mul3A_1196, %squeeze3A_1191 : vector<304xf32>
    %select_n3A_1198 = arith.select %ge3A_1194, %squeeze3A_1191, %mul3A_1197 : vector<304xi1>, vector<304xf32>
    %slice3A_1199 = vector.extract_strided_slice %reduce_sum3A_1189 {offsets = [1, 0], sizes = [1, 304], strides = [1, 1]} : vector<2x304xf32> to vector<1x304xf32>
    %squeeze3A_1200 = vector.shape_cast %slice3A_1199 : vector<1x304xf32> to vector<304xf32>
    %ge3A_1201 = arith.constant 0.000000e+00 : f32
    %ge3A_1202 = vector.broadcast %ge3A_1201 : f32 to vector<304xf32>
    %ge3A_1203 = arith.cmpf oge, %squeeze3A_1200, %ge3A_1202 : vector<304xf32>
    %mul3A_1204 = arith.constant 0.00999999977 : f32
    %mul3A_1205 = vector.broadcast %mul3A_1204 : f32 to vector<304xf32>
    %mul3A_1206 = arith.mulf %mul3A_1205, %squeeze3A_1200 : vector<304xf32>
    %select_n3A_1207 = arith.select %ge3A_1203, %squeeze3A_1200, %mul3A_1206 : vector<304xi1>, vector<304xf32>
    %broadcast_in_dim3A_1208 = vector.shape_cast %select_n3A_1207 : vector<304xf32> to vector<1x304xf32>
    %swap3A_1209 = arith.constant 3 : index
    %swap3A_1210 = arith.constant 0 : index
    %swap3A_1211 = arith.constant 0 : index
    %swap3A_1212 = vector.load %arg9[%swap3A_1209, %swap3A_1210, %swap3A_1211] : memref<4x1x304xf32, #tpu.memory_space<vmem>>, vector<1x1x304xf32>
    %swap3A_1213 = vector.shape_cast %swap3A_1212 : vector<1x1x304xf32> to vector<1x304xf32>
    %swap3A_1214 = vector.shape_cast %broadcast_in_dim3A_1208 : vector<1x304xf32> to vector<1x1x304xf32>
    tpu.vector_store %arg9[%swap3A_1209, %swap3A_1210, %swap3A_1211], %swap3A_1214 {strides = array<i32>} : memref<4x1x304xf32, #tpu.memory_space<vmem>>, vector<1x1x304xf32>,
    %squeeze3A_1215 = vector.shape_cast %min3A_974 : vector<1x304xi32> to vector<304xi32>
    %convert_element_type3A_1216 = arith.sitofp %squeeze3A_1215 : vector<304xi32> to vector<304xf32>
    %slice3A_1217 = vector.extract_strided_slice %convert_element_type3A_1216 {offsets = [0], sizes = [152], strides = [1]} : vector<304xf32> to vector<152xf32>
    %mul3A_1218 = arith.constant 7.812500e-03 : f32
    %mul3A_1219 = vector.broadcast %mul3A_1218 : f32 to vector<152xf32>
    %mul3A_1220 = arith.mulf %slice3A_1217, %mul3A_1219 : vector<152xf32>
    %slice3A_1221 = vector.extract_strided_slice %select_n3A_1198 {offsets = [0], sizes = [152], strides = [1]} : vector<304xf32> to vector<152xf32>
    %mul3A_1222 = arith.constant 7.812500e-03 : f32
    %mul3A_1223 = vector.broadcast %mul3A_1222 : f32 to vector<152xf32>
    %mul3A_1224 = arith.mulf %slice3A_1221, %mul3A_1223 : vector<152xf32>
    %add3A_1225 = arith.addf %mul3A_1220, %mul3A_1224 : vector<152xf32>
    %swap3A_1226 = arith.constant 3 : index
    %swap3A_1227 = arith.constant 0 : index
    %swap3A_1228 = arith.constant 0 : index
    %swap3A_1229 = arith.constant 0 : index
    %swap3A_1230 = vector.load %arg8[%swap3A_1226, %swap3A_1227, %swap3A_1228, %swap3A_1229] : memref<4x2x2x152xf32, #tpu.memory_space<vmem>>, vector<1x1x1x152xf32>
    %swap3A_1231 = vector.shape_cast %swap3A_1230 : vector<1x1x1x152xf32> to vector<152xf32>
    %swap3A_1232 = vector.shape_cast %add3A_1225 : vector<152xf32> to vector<1x1x1x152xf32>
    tpu.vector_store %arg8[%swap3A_1226, %swap3A_1227, %swap3A_1228, %swap3A_1229], %swap3A_1232 {strides = array<i32>} : memref<4x2x2x152xf32, #tpu.memory_space<vmem>>, vector<1x1x1x152xf32>,
    %slice3A_1233 = vector.extract_strided_slice %convert_element_type3A_1216 {offsets = [0], sizes = [152], strides = [1]} : vector<304xf32> to vector<152xf32>
    %mul3A_1234 = arith.constant 7.812500e-03 : f32
    %mul3A_1235 = vector.broadcast %mul3A_1234 : f32 to vector<152xf32>
    %mul3A_1236 = arith.mulf %slice3A_1233, %mul3A_1235 : vector<152xf32>
    %slice3A_1237 = vector.extract_strided_slice %select_n3A_1198 {offsets = [152], sizes = [152], strides = [1]} : vector<304xf32> to vector<152xf32>
    %mul3A_1238 = arith.constant 7.812500e-03 : f32
    %mul3A_1239 = vector.broadcast %mul3A_1238 : f32 to vector<152xf32>
    %mul3A_1240 = arith.mulf %slice3A_1237, %mul3A_1239 : vector<152xf32>
    %add3A_1241 = arith.addf %mul3A_1236, %mul3A_1240 : vector<152xf32>
    %swap3A_1242 = arith.constant 3 : index
    %swap3A_1243 = arith.constant 0 : index
    %swap3A_1244 = arith.constant 1 : index
    %swap3A_1245 = arith.constant 0 : index
    %swap3A_1246 = vector.load %arg8[%swap3A_1242, %swap3A_1243, %swap3A_1244, %swap3A_1245] : memref<4x2x2x152xf32, #tpu.memory_space<vmem>>, vector<1x1x1x152xf32>
    %swap3A_1247 = vector.shape_cast %swap3A_1246 : vector<1x1x1x152xf32> to vector<152xf32>
    %swap3A_1248 = vector.shape_cast %add3A_1241 : vector<152xf32> to vector<1x1x1x152xf32>
    tpu.vector_store %arg8[%swap3A_1242, %swap3A_1243, %swap3A_1244, %swap3A_1245], %swap3A_1248 {strides = array<i32>} : memref<4x2x2x152xf32, #tpu.memory_space<vmem>>, vector<1x1x1x152xf32>,
    %slice3A_1249 = vector.extract_strided_slice %convert_element_type3A_1216 {offsets = [152], sizes = [152], strides = [1]} : vector<304xf32> to vector<152xf32>
    %mul3A_1250 = arith.constant 7.812500e-03 : f32
    %mul3A_1251 = vector.broadcast %mul3A_1250 : f32 to vector<152xf32>
    %mul3A_1252 = arith.mulf %slice3A_1249, %mul3A_1251 : vector<152xf32>
    %slice3A_1253 = vector.extract_strided_slice %select_n3A_1198 {offsets = [0], sizes = [152], strides = [1]} : vector<304xf32> to vector<152xf32>
    %mul3A_1254 = arith.constant 7.812500e-03 : f32
    %mul3A_1255 = vector.broadcast %mul3A_1254 : f32 to vector<152xf32>
    %mul3A_1256 = arith.mulf %slice3A_1253, %mul3A_1255 : vector<152xf32>
    %add3A_1257 = arith.addf %mul3A_1252, %mul3A_1256 : vector<152xf32>
    %swap3A_1258 = arith.constant 3 : index
    %swap3A_1259 = arith.constant 1 : index
    %swap3A_1260 = arith.constant 0 : index
    %swap3A_1261 = arith.constant 0 : index
    %swap3A_1262 = vector.load %arg8[%swap3A_1258, %swap3A_1259, %swap3A_1260, %swap3A_1261] : memref<4x2x2x152xf32, #tpu.memory_space<vmem>>, vector<1x1x1x152xf32>
    %swap3A_1263 = vector.shape_cast %swap3A_1262 : vector<1x1x1x152xf32> to vector<152xf32>
    %swap3A_1264 = vector.shape_cast %add3A_1257 : vector<152xf32> to vector<1x1x1x152xf32>
    tpu.vector_store %arg8[%swap3A_1258, %swap3A_1259, %swap3A_1260, %swap3A_1261], %swap3A_1264 {strides = array<i32>} : memref<4x2x2x152xf32, #tpu.memory_space<vmem>>, vector<1x1x1x152xf32>,
    %slice3A_1265 = vector.extract_strided_slice %convert_element_type3A_1216 {offsets = [152], sizes = [152], strides = [1]} : vector<304xf32> to vector<152xf32>
    %mul3A_1266 = arith.constant 7.812500e-03 : f32
    %mul3A_1267 = vector.broadcast %mul3A_1266 : f32 to vector<152xf32>
    %mul3A_1268 = arith.mulf %slice3A_1265, %mul3A_1267 : vector<152xf32>
    %slice3A_1269 = vector.extract_strided_slice %select_n3A_1198 {offsets = [152], sizes = [152], strides = [1]} : vector<304xf32> to vector<152xf32>
    %mul3A_1270 = arith.constant 7.812500e-03 : f32
    %mul3A_1271 = vector.broadcast %mul3A_1270 : f32 to vector<152xf32>
    %mul3A_1272 = arith.mulf %slice3A_1269, %mul3A_1271 : vector<152xf32>
    %add3A_1273 = arith.addf %mul3A_1268, %mul3A_1272 : vector<152xf32>
    %swap3A_1274 = arith.constant 3 : index
    %swap3A_1275 = arith.constant 1 : index
    %swap3A_1276 = arith.constant 1 : index
    %swap3A_1277 = arith.constant 0 : index
    %swap3A_1278 = vector.load %arg8[%swap3A_1274, %swap3A_1275, %swap3A_1276, %swap3A_1277] : memref<4x2x2x152xf32, #tpu.memory_space<vmem>>, vector<1x1x1x152xf32>
    %swap3A_1279 = vector.shape_cast %swap3A_1278 : vector<1x1x1x152xf32> to vector<152xf32>
    %swap3A_1280 = vector.shape_cast %add3A_1273 : vector<152xf32> to vector<1x1x1x152xf32>
    tpu.vector_store %arg8[%swap3A_1274, %swap3A_1275, %swap3A_1276, %swap3A_1277], %swap3A_1280 {strides = array<i32>} : memref<4x2x2x152xf32, #tpu.memory_space<vmem>>, vector<1x1x1x152xf32>,
    return
  }
  func.func @transform_0(%arg0: i32) -> (i32, i32, i32) {
    %c0_i32 = arith.constant 0 : i32
    %c0_i32_0 = arith.constant 0 : i32
    %c0_i32_1 = arith.constant 0 : i32
    return %arg0, %c0_i32, %c0_i32_0 : i32, i32, i32
  }
  func.func @transform_1(%arg0: i32) -> (i32, i32, i32) {
    %c0_i32 = arith.constant 0 : i32
    %c0_i32_0 = arith.constant 0 : i32
    %c0_i32_1 = arith.constant 0 : i32
    return %arg0, %c0_i32, %c0_i32_0 : i32, i32, i32
  }
  func.func @transform_2(%arg0: i32) -> (i32, i32, i32) {
    %c0_i32 = arith.constant 0 : i32
    %c0_i32_0 = arith.constant 0 : i32
    %c0_i32_1 = arith.constant 0 : i32
    return %arg0, %c0_i32, %c0_i32_0 : i32, i32, i32
  }
  func.func @transform_3(%arg0: i32) -> (i32, i32, i32) {
    %c0_i32 = arith.constant 0 : i32
    %c0_i32_0 = arith.constant 0 : i32
    %c0_i32_1 = arith.constant 0 : i32
    return %arg0, %c0_i32, %c0_i32_0 : i32, i32, i32
  }
  func.func @transform_4(%arg0: i32) -> (i32, i32, i32) {
    %c0_i32 = arith.constant 0 : i32
    %c0_i32_0 = arith.constant 0 : i32
    %c0_i32_1 = arith.constant 0 : i32
    return %arg0, %c0_i32, %c0_i32_0 : i32, i32, i32
  }
  func.func @transform_5(%arg0: i32) -> (i32, i32, i32) {
    %c0_i32 = arith.constant 0 : i32
    %c0_i32_0 = arith.constant 0 : i32
    %c0_i32_1 = arith.constant 0 : i32
    return %arg0, %c0_i32, %c0_i32_0 : i32, i32, i32
  }
  func.func @transform_6(%arg0: i32) -> (i32, i32, i32) {
    %c0_i32 = arith.constant 0 : i32
    %c0_i32_0 = arith.constant 0 : i32
    %c0_i32_1 = arith.constant 0 : i32
    return %arg0, %c0_i32, %c0_i32_0 : i32, i32, i32
  }
  func.func @transform_7(%arg0: i32) -> (i32, i32, i32, i32) {
    %c0_i32 = arith.constant 0 : i32
    %c0_i32_0 = arith.constant 0 : i32
    %c0_i32_1 = arith.constant 0 : i32
    %c0_i32_2 = arith.constant 0 : i32
    return %arg0, %c0_i32, %c0_i32_0, %c0_i32_1 : i32, i32, i32, i32
  }
  func.func @transform_8(%arg0: i32) -> (i32, i32, i32) {
    %c0_i32 = arith.constant 0 : i32
    %c0_i32_0 = arith.constant 0 : i32
    %c0_i32_1 = arith.constant 0 : i32
    return %arg0, %c0_i32, %c0_i32_0 : i32, i32, i32
  }
  func.func @transform_9(%arg0: i32) -> (i32, i32, i32) {
    %c0_i32 = arith.constant 0 : i32
    %c0_i32_0 = arith.constant 0 : i32
    %c0_i32_1 = arith.constant 0 : i32
    return %arg0, %c0_i32, %c0_i32_0 : i32, i32, i32
  }
}

</mosaic_0001>

<sc_bundles>
// kernel: sparse-core-data-format-call.1.cloned.1.call-start
scs
called_computation.1_lowered:
.L_overlay_start_0:
0x0: {  	s2 =	sld [smem:$0x3FD9]  }
0x1: {  	s3 =	sld [smem:$0x3FFE];
	_ =	sdelay $0x1  }
0x2: {  	s1 =	srdreg.scid  }
0x3: {  	s0 =	sand.u32 $0x1, s1  }
0x4: {  	s18 =	sshll.u32 s0, $0xA;
	s2 =	sadd.s32 s3, s2  }
0x5: {  	s2 =	sadd.s32 s2, s18  }
0x6: {  	[smem:$0x3FC1] =	sst s2  }
0x7: {  	_ = 	snop  }
0x8: {  	s2 =	sld [smem:$0x3FC4];
	(tm) =	ssettm $0x1  }
0x9: {  	s19 =	sld [smem:$0x3FFB];
	_ =	sdelay $0x3  }
0xa: {  	_ =	strace s19  }
0xb: {  	s3 =	sld [smem:$0x3FFC];
	_ =	sdelay $0x3  }
0xc: {  	_ =	strace s3  }
0xd: {  	s3 =	sld [smem:$0x3FFD];
	_ =	sdelay $0x3  }
0xe: {  	_ =	strace s3  }
0xf: {  	_ =	strace $0x8FFFFFFF  }
0x10: {  	s20 =	sld [smem:$0x3FDB];
	_ =	sdelay $0x1  }
0x11: {  	s4 =	simm.s32 $_scs_section_size  }
0x12: {  	s5 =	simm.s32 $_size__tile_overlayer_lowered;
	s6 =	simm.s32 $_tile_overlayer_lowered  }
0x13: {  	s23 =	simm.s32 $0x1BFF;
	s22 =	sshll.u32 s6, $0x1;
	s3 =	sadd.s32 s4, s20  }
0x14: {  	s7 =	simm.s32 $0x0;
	s21 =	sshll.u32 s5, $0x1;
	s5 =	sadd.s32 s22, s3  }
0x15: {  	[timem:s7], [sflag:s23] =	dma.local [hbm:s5], s21  }
0x16: {  	_ =	swait.ge [sflag:s23], s21  }
0x17: {  	s4 =	ssub.s32 $0x0, s21;
	[sflag:s23] =	ssyncset.done $0x0  }
0x18: {  	[sflag:s23] =	ssyncadd.s32 s4;
	_ =	sdelay $0x1  }
0x19: {  	s24 =	simm.s32 $0x1B8B  }
0x1a: {  	_ =	swait.ge [sflag:s24], $0x1  }
0x1b: {  	[sflag:s24] =	ssyncset.done $0x0  }
0x1c: {  	s26 =	simm.s32 $0x1B8E;
	s25 =	sld [smem:$0x3FFE];
	[sflag:s24] =	ssyncadd.s32 $0xFFFFFFFF  }
0x1d: {  	s27 =	simm.s32 $execute0_lowered;
	[smem:$0x3FD2] =	sst s26  }
0x1e: {  	s5 =	sshll.u32 s27, $0x1;
	_ =	strace $0x80000046;
	[dreg:$0x1] =	wrdreg $0xFFFFFFFF  }
0x1f: {  	s28 =	simm.s32 $_size_execute0_lowered;
	s3 =	sadd.s32 s3, s5;
	[dreg:$0x0] =	wrdreg $0x0  }
0x20: {  	s5 =	sshll.u32 s28, $0x1;
	[dreg:$0x2] =	wrdreg s3  }
0x21: {  	[dreg:$0x3] =	wrdreg s5  }
0x22: {  	[dreg:$0x4] =	wrdreg $0xC0  }
0x23: {  	_ =	task [dreg:s7], $0x5FFFF  }
0x24: {  	[dreg:$0x1] =	wrdreg $0xFFFFFFFF  }
0x25: {  	[dreg:$0x0] =	wrdreg $0x60  }
0x26: {  	[dreg:$0x2] =	wrdreg s2  }
0x27: {  	[dreg:$0x3] =	wrdreg s25  }
0x28: {  	[dreg:$0x4] =	wrdreg $0x9  }
0x29: {  	_ =	task.clear_ibuf [dreg:s7], $0x5FFFF;
	_ =	strace $0x90000046  }
0x2a: {  	s29 =	simm.s32 $0x9;
	_ =	strace $0x80000048  }
0x2b: {  	_ =	swait.ge [sflag:s29], $0x1  }
0x2c: {  	[sflag:s29] =	ssyncadd.s32 $0xFFFFFFFF  }
0x2d: {  	_ =	strace $0x90000048  }
0x2e: {  	_ =	sfence  }
0x2f: {  	s30 =	sld [smem:$0x0];
	_ =	sdelay $0x2  }
0x30: {  	s31 =	sshll.u32 s1, $0xD;
	s1 =	sshrl.u32 s1, $0x2  }
0x31: {  	s3 =	sand.u32 $0x4000, s31;
	s1 =	sadd.s32 s1, s30  }
0x32: {  	s0 =	sor.u32 s3, s0;
	s1 =	sshll.u32 s1, $0x11  }
0x33: {  	s0 =	sor.u32 s1, s0  }
0x34: {  	s0 =	sadd.s32 $0x8F2B, s0  }
0x35: {  	[sflag:s0] =	ssyncadd.remote.s32 $0x1  }
0x36: {  	_ =	sfence.sel $0xFFFF  }
0x37: {  	[dreg:$0x0] =	wrdreg $0xFFFFFFFF;
	(pc) =	sbr.abs _section_cstart, $3  }
0x38: {  	[dreg:$0x1] =	wrdreg $0xFFFFFFFF  }
0x39: {  	_ =	task.clear_ibuf [dreg:s7], $0x2FFFF;
	_ =	strace $0x9FFFFFFF  }
0x3a: {  	(tm) =	ssettm $0x7FFFFFFF  }
0x3b: {  	_ =	shalt  }
tec
execute0_lowered:
.L_overlay_start_1:
0x0: {  	(tag) =	ssettag $0x1  }
0x1: {  	s2 =	rddreg [dreg:$0x0]  }
0x2: {  	s1 =	rddreg [dreg:$0x1]  }
0x3: {  	s0 =	rddreg [dreg:$0x2];
	_ =	strace $0x80000047;
	s4 =	srdreg.scid  }
0x4: {  	s6 =	simm.s32 $0x2;
	s11 =	simm.s32 $0x0;
	p0 =	por $0x0, $0x0  }
.Ltmp0:
0x5: {  	s7 =	simm.s32 $0x3800;
	s12 =	simm.s32 $0x0;
	(pc) =	sbr.rel .LBB1_1-.Ltmp0, $4  }
0x6: {  	s9 =	simm.s32 $0x0;
	s3 =	sadd.s32 $0x1800, s1;
	s5 =	sshll.u32 s4, $0x4  }
0x7: {  	s1 =	stileid.u32;
	s4 =	simm.s32 $0x1;
	s5 =	sand.u32 $0x10, s5  }
0x8: {  	s8 =	simm.s32 $0x0;
	[sflag:s4] =	ssyncpa.u1 $0x0;
	s5 =	sor.u32 s1, s5  }
0x9: {  	[sflag:s6] =	ssyncpa.u1 $0x0;
	s6 =	simm.s32 $0x800;
	s10 =	smov.u32 s5  }
.LBB1_7:
0xa: {  	s13 =	sadd.s32 $0x10, s9  }
0xb: {  	s11 =	sadd.s32 $0x20, s10;
	s15 =	smov.u32 s10;
	p2 =	sgt.s32 s13, $0x6F  }
0xc: {  	p1 =	slt.u32 s8, $0x2;
	s15 =	smov.u32 @p2 s11  }
0xd: {  	s8 =	sadd.s32 $0x1, s8;
	s13 =	simm.s32 @p2 $0x0;
	p2 =	sgt.s32 s15, $0x7F  }
0xe: {  	s15 =	smov.u32 @p2 s5;
	p2 =	sne.s32 s8, $0x1E  }
.Ltmp1:
0xf: {  	_ = 	snop;
	(pc) =	sbr.rel @!p2 .LBB1_8-.Ltmp1, $4  }
0x10: {  	s14 =	simm.s32 @!p1 $0x2  }
0x11: {  	s12 =	smov.u32 s10;
	_ =	swait.ge @!p1 [sflag:s14], $0x4000  }
0x12: {  	p0 =	por !p0, !p0;
	s11 =	smov.u32 s9;
	[sflag:s14] =	ssyncset.done @!p1 $0x0  }
0x13: {  	s9 =	smov.u32 s13;
	[sflag:s14] =	ssyncadd.s32 @!p1 $0xFFFFC000;
	s10 =	smov.u32 s15  }
.LBB1_1:
0x14: {  	p1 =	sgt.u32 s8, $0x1B  }
0x15: {  	s13 =	smul.u32 @!p1 $0x3800, s10  }
0x16: {  	s14 =	sxor.u32 @!p1 $0xFFFFFFFF, s8  }
0x17: {  	s15 =	sshll.u32 @!p1 s9, $0x7;
	s14 =	sshll.u32 @!p1 s14, $0xE;
	s13 =	sadd.s32 @!p1 s2, s13  }
0x18: {  	s14 =	sand.u32 @!p1 $0x4000, s14;
	s13 =	sadd.s32 @!p1 s15, s13;
	s15 =	simm.s32 @!p1 $0x0  }
0x19: {  	[tilespmem:s14], [sflag:$0x1] =	stream.linear.gather @!p1 [hbm4b:s13+s15], $0x4000, $0x38;
	[tilespmem:$0x10000] =	vst v63  }
0x1a: {  	p1 =	seq.s32 s8, $0x0  }
0x1b: {  	p2 =	seq.s32 @!p1 s8, $0x1D  }
0x1c: {  	p1 =	por p1, p2  }
.Ltmp2:
0x1d: {  	_ = 	snop;
	(pc) =	sbr.rel @p1 .LBB1_7-.Ltmp2, $1  }
0x1e: {  	_ =	sdelay $0x3  }
0x1f: {  	s13 =	simm.s32 $0x1;
	_ =	swait.ge [sflag:s4], $0x4000;
	s16 =	sshll.u32 s8, $0xE  }
0x20: {  	s13 =	simm.s32 @!p0 $0x0;
	[sflag:s4] =	ssyncset.done $0x0;
	s31 =	sand.u32 $0x4000, s16  }
0x21: {  	s16 =	simm.s32 $0x0;
	s13 =	sshll.u32 s13, $0xE;
	[sflag:s4] =	ssyncadd.s32 $0xFFFFC000  }
0x22: {  	s14 =	sor.u32 $0x8040, s13;
	s15 =	sor.u32 $0x40, s13;
	s13 =	sor.u32 $0x8000, s31  }
.LBB1_3:
0x23: {  	v0 =	vmov s15;
	_ =	sdelay $0x3  }
0x24: {  	s18 =	simm.s32 $0x0  }
0x25: {  	v6 =	vld.idx.msk [tilespmem:v0+s18+$0x30 ss:$0x1], $0xffff  }
0x26: {  	v7 =	vld.idx.msk [tilespmem:v0+s18+$0xFFFFFFC0 ss:$0x1], $0xffff  }
0x27: {  	v5 =	vld.idx.msk [tilespmem:v0+s18+$0xFFFFFFD0 ss:$0x1], $0xffff  }
0x28: {  	v4 =	vld.idx.msk [tilespmem:v0+s18+$0xFFFFFFE0 ss:$0x1], $0xffff  }
0x29: {  	v3 =	vld.idx.msk [tilespmem:v0+s18+$0xFFFFFFF0 ss:$0x1], $0xffff  }
0x2a: {  	v1 =	vld.idx.msk [tilespmem:v0+s18+$0x0 ss:$0x1], $0xffff  }
0x2b: {  	v2 =	vld.idx.msk [tilespmem:v0+s18+$0x10 ss:$0x1], $0xffff;
	[tilespmem:s14+$0x30] =	vst v6  }
0x2c: {  	s17 =	simm.s32 $0x80;
	s19 =	simm.s32 $0x400;
	[tilespmem:s14+$0xFFFFFFC0] =	vst v7;
	v6 =	vld.idx.msk [tilespmem:v0+s18+$0x20 ss:$0x1], $0xffff;
	s18 =	smov.u32 s14  }
.LBB1_4:
0x2d: {  	p1 =	sne.s32 s19, $0xE00;
	v7 =	vld.idx.msk [tilespmem:v0+s17+$0x30 ss:$0x1], $0xffff;
	[tilespmem:s18+$0xFFFFFFD0] =	vst v5  }
0x2e: {  	v8 =	vld.idx.msk [tilespmem:v0+s17+$0xFFFFFFC0 ss:$0x1], $0xffff;
	[tilespmem:s18+$0xFFFFFFE0] =	vst v4  }
0x2f: {  	v5 =	vld.idx.msk [tilespmem:v0+s17+$0xFFFFFFD0 ss:$0x1], $0xffff;
	[tilespmem:s18+$0xFFFFFFF0] =	vst v3  }
.Ltmp3:
0x30: {  	v4 =	vld.idx.msk [tilespmem:v0+s17+$0xFFFFFFE0 ss:$0x1], $0xffff;
	[tilespmem:s18+$0x0] =	vst v1;
	(pc) =	sbr.rel @p1 .LBB1_4-.Ltmp3, $4  }
0x31: {  	v3 =	vld.idx.msk [tilespmem:v0+s17+$0xFFFFFFF0 ss:$0x1], $0xffff;
	[tilespmem:s18+$0x10] =	vst v2  }
0x32: {  	v1 =	vld.idx.msk [tilespmem:v0+s17+$0x0 ss:$0x1], $0xffff;
	[tilespmem:s18+$0x20] =	vst v6;
	s18 =	sadd.s32 $0x800, s18  }
0x33: {  	v2 =	vld.idx.msk [tilespmem:v0+s17+$0x10 ss:$0x1], $0xffff;
	[tilespmem:s18+$0x30] =	vst v7  }
0x34: {  	[tilespmem:s18+$0xFFFFFFC0] =	vst v8;
	v6 =	vld.idx.msk [tilespmem:v0+s17+$0x20 ss:$0x1], $0xffff;
	s17 =	sshra.s32 s19, $0x2;
	s19 =	sadd.s32 $0x200, s19  }
0x35: {  	_ =	sdelay $0x2  }
0x36: {  	[tilespmem:s18+$0xFFFFFFD0] =	vst v5  }
0x37: {  	v56 =	vld.idx.msk [tilespmem:v0+s17+$0x30 ss:$0x1], $0xffff;
	[tilespmem:s18+$0xFFFFFFE0] =	vst v4  }
0x38: {  	v57 =	vld.idx.msk [tilespmem:v0+s17+$0xFFFFFFC0 ss:$0x1], $0xffff;
	[tilespmem:s18+$0xFFFFFFF0] =	vst v3  }
0x39: {  	v58 =	vld.idx.msk [tilespmem:v0+s17+$0xFFFFFFD0 ss:$0x1], $0xffff;
	[tilespmem:s18+$0x0] =	vst v1  }
0x3a: {  	v59 =	vld.idx.msk [tilespmem:v0+s17+$0xFFFFFFE0 ss:$0x1], $0xffff;
	[tilespmem:s18+$0x10] =	vst v2  }
0x3b: {  	v60 =	vld.idx.msk [tilespmem:v0+s17+$0xFFFFFFF0 ss:$0x1], $0xffff;
	s31 =	sadd.s32 $0x800, s18;
	[tilespmem:s18+$0x20] =	vst v6  }
0x3c: {  	v61 =	vld.idx.msk [tilespmem:v0+s17+$0x0 ss:$0x1], $0xffff;
	[tilespmem:s31+$0x30] =	vst v56  }
0x3d: {  	v62 =	vld.idx.msk [tilespmem:v0+s17+$0x10 ss:$0x1], $0xffff;
	s16 =	sadd.s32 $0x1, s16;
	[tilespmem:s31+$0xFFFFFFC0] =	vst v57  }
0x3e: {  	v63 =	vld.idx.msk [tilespmem:v0+s17+$0x20 ss:$0x1], $0xffff;
	p1 =	sne.s32 s16, $0x10;
	[tilespmem:s31+$0xFFFFFFD0] =	vst v58  }
.Ltmp4:
0x3f: {  	[tilespmem:s31+$0xFFFFFFE0] =	vst v59;
	(pc) =	sbr.rel @p1 .LBB1_3-.Ltmp4, $4  }
0x40: {  	[tilespmem:s31+$0xFFFFFFF0] =	vst v60  }
0x41: {  	[tilespmem:s31+$0x0] =	vst v61  }
0x42: {  	[tilespmem:s31+$0x10] =	vst v62  }
0x43: {  	s14 =	sadd.s32 $0x80, s14;
	s15 =	sadd.s32 $0x400, s15;
	[tilespmem:s31+$0x20] =	vst v63  }
0x44: {  	s11 =	sand.u32 $0x1FFFFFF, s11  }
0x45: {  	s14 =	smulhi.u32 $0x2492493, s11  }
0x46: {  	s12 =	smul.u32 $0x3800, s12  }
0x47: {  	s14 =	smul.u32 $0x70, s14  }
.Ltmp5:
0x48: {  	_ = 	snop;
	(pc) =	sbr.rel .LBB1_7-.Ltmp5, $4  }
0x49: {  	s11 =	ssub.s32 s11, s14  }
0x4a: {  	s12 =	sadd.s32 s3, s12;
	s11 =	sshll.u32 s11, $0x4  }
0x4b: {  	s11 =	sadd.s32 s11, s12  }
0x4c: {  	[hbm4b:s11+s6] =	stream.strided.scatter [tilespmem:s13], [sflag:$0x2], $0x4000, s7, s6, $0x38;
	[tilespmem:$0x10000] =	vst v63  }
.LBB1_8:
0x4d: {  	_ =	sfence.sel $0x180000  }
0x4e: {  	s2 =	simm.s32 $0x1;
	[bflag:$0x0] =	sbarrier.arrive $0xFFFF  }
0x4f: {  	s31 =	simm.s32 $0x2;
	[sflag:s2] =	ssyncpa.u1 $0x1  }
0x50: {  	[sflag:s31] =	ssyncpa.u1 $0x1  }
0x51: {  	p0 =	sne.s32 s1, $0x0;
	_ =	strace $0x90000047  }
0x52: {  	s0 =	sadd.s32 @!p0 $0x100000, s0;
	[bflag:$0x2] =	sbarrier.arrive $0xFFFF  }
0x53: {  	[sflag:s0] =	ssyncadd.tile.s32 @!p0 $0x1;
	_ =	shalt  }
.Lfunc_end1:
_tile_overlayer_lowered:
.L_overlay_start_2:
0x54: {  	(tag) =	ssettag $0x2  }
0x55: {  	s0 =	rddreg [dreg:$0x0];
	s2 =	stileid.u32  }
0x56: {  	s1 =	rddreg [dreg:$0x1];
	p0 =	sne.s32 s2, $0x0  }
0x57: {  	s3 =	rddreg [dreg:$0x2];
	[bflag:$0x3] =	sbarrier.arrive $0xFFFF;
	s2 =	simm.s32 @!p0 $0x1C01  }
0x58: {  	[timem:s3], [sflag:s2] =	dma.local @!p0 [hbm:s0], s1  }
0x59: {  	s0 =	simm.s32 @!p0 $0x1  }
0x5a: {  	_ =	swait.ge @!p0 [sflag:s0], s1  }
0x5b: {  	s1 =	ssub.s32 @!p0 $0x0, s1;
	[sflag:s0] =	ssyncset.done @!p0 $0x0  }
0x5c: {  	[sflag:s0] =	ssyncadd.s32 @!p0 s1  }
0x5d: {  	[bflag:$0x3] =	sbarrier.arrive $0xFFFF  }
0x5e: {  	_ =	shalt  }

// kernel: sparse-core-data-format-call.cloned.1.call-start
scs
called_computation_lowered:
.L_overlay_start_0:
0x0: {  	s1 =	sld [smem:$0x3FD9]  }
0x1: {  	s2 =	sld [smem:$0x3FFE];
	_ =	sdelay $0x1  }
0x2: {  	s3 =	srdreg.scid  }
0x3: {  	s0 =	sand.u32 $0x1, s3  }
0x4: {  	s17 =	sshll.u32 s0, $0xA;
	s1 =	sadd.s32 s2, s1  }
0x5: {  	s1 =	sadd.s32 s1, s17  }
0x6: {  	[smem:$0x3FC1] =	sst s1  }
0x7: {  	_ = 	snop  }
0x8: {  	(tm) =	ssettm $0x1  }
0x9: {  	s18 =	sld [smem:$0x3FFB];
	_ =	sdelay $0x3  }
0xa: {  	_ =	strace s18  }
0xb: {  	s1 =	sld [smem:$0x3FFC];
	_ =	sdelay $0x3  }
0xc: {  	_ =	strace s1  }
0xd: {  	s1 =	sld [smem:$0x3FFD];
	_ =	sdelay $0x3  }
0xe: {  	_ =	strace s1  }
0xf: {  	_ =	strace $0x8FFFFFFF  }
0x10: {  	s19 =	sld [smem:$0x3FDB];
	_ =	sdelay $0x1  }
0x11: {  	s20 =	simm.s32 $_scs_section_size  }
0x12: {  	s4 =	simm.s32 $_size__tile_overlayer_lowered;
	s5 =	simm.s32 $_tile_overlayer_lowered  }
0x13: {  	s23 =	simm.s32 $0x1BFF;
	s22 =	sshll.u32 s5, $0x1;
	s1 =	sadd.s32 s20, s19  }
0x14: {  	s6 =	simm.s32 $0x0;
	s21 =	sshll.u32 s4, $0x1;
	s4 =	sadd.s32 s22, s1  }
0x15: {  	[timem:s6], [sflag:s23] =	dma.local [hbm:s4], s21  }
0x16: {  	_ =	swait.ge [sflag:s23], s21  }
0x17: {  	s2 =	ssub.s32 $0x0, s21;
	[sflag:s23] =	ssyncset.done $0x0  }
0x18: {  	[sflag:s23] =	ssyncadd.s32 s2;
	_ =	sdelay $0x1  }
0x19: {  	s24 =	simm.s32 $0x1B8B  }
0x1a: {  	_ =	swait.ge [sflag:s24], $0x1  }
0x1b: {  	[sflag:s24] =	ssyncset.done $0x0  }
0x1c: {  	s26 =	simm.s32 $0x1B8E;
	s25 =	sld [smem:$0x3FFE];
	[sflag:s24] =	ssyncadd.s32 $0xFFFFFFFF  }
0x1d: {  	s27 =	simm.s32 $execute0_lowered;
	[smem:$0x3FD2] =	sst s26  }
0x1e: {  	s4 =	sshll.u32 s27, $0x1;
	_ =	strace $0x80000049;
	[dreg:$0x1] =	wrdreg $0xFFFFFFFF  }
0x1f: {  	s28 =	simm.s32 $_size_execute0_lowered;
	s1 =	sadd.s32 s1, s4;
	[dreg:$0x0] =	wrdreg $0x0  }
0x20: {  	s4 =	sshll.u32 s28, $0x1;
	[dreg:$0x2] =	wrdreg s1  }
0x21: {  	[dreg:$0x3] =	wrdreg s4  }
0x22: {  	[dreg:$0x4] =	wrdreg $0xC0  }
0x23: {  	_ =	task [dreg:s6], $0x5FFFF  }
0x24: {  	[dreg:$0x1] =	wrdreg $0xFFFFFFFF  }
0x25: {  	[dreg:$0x0] =	wrdreg $0x60  }
0x26: {  	[dreg:$0x2] =	wrdreg s25  }
0x27: {  	[dreg:$0x3] =	wrdreg $0x9  }
0x28: {  	_ =	task.clear_ibuf [dreg:s6], $0x4FFFF;
	_ =	strace $0x90000049  }
0x29: {  	s29 =	simm.s32 $0x9;
	_ =	strace $0x8000004B  }
0x2a: {  	_ =	swait.ge [sflag:s29], $0x1  }
0x2b: {  	[sflag:s29] =	ssyncadd.s32 $0xFFFFFFFF  }
0x2c: {  	_ =	strace $0x9000004B  }
0x2d: {  	_ =	sfence  }
0x2e: {  	s30 =	sld [smem:$0x0];
	_ =	sdelay $0x2  }
0x2f: {  	s31 =	sshll.u32 s3, $0xD;
	s3 =	sshrl.u32 s3, $0x2  }
0x30: {  	s2 =	sand.u32 $0x4000, s31;
	s1 =	sadd.s32 s3, s30  }
0x31: {  	s0 =	sor.u32 s2, s0;
	s1 =	sshll.u32 s1, $0x11  }
0x32: {  	s0 =	sor.u32 s1, s0  }
0x33: {  	s0 =	sadd.s32 $0x8F2B, s0  }
0x34: {  	[sflag:s0] =	ssyncadd.remote.s32 $0x1  }
0x35: {  	_ =	sfence.sel $0xFFFF  }
0x36: {  	[dreg:$0x0] =	wrdreg $0xFFFFFFFF;
	(pc) =	sbr.abs _section_cstart, $3  }
0x37: {  	[dreg:$0x1] =	wrdreg $0xFFFFFFFF  }
0x38: {  	_ =	task.clear_ibuf [dreg:s6], $0x2FFFF;
	_ =	strace $0x9FFFFFFF  }
0x39: {  	(tm) =	ssettm $0x7FFFFFFF  }
tec
execute0_lowered:
.L_overlay_start_1:
0x0: {  	(tag) =	ssettag $0x1  }
0x1: {  	s4 =	rddreg [dreg:$0x0]  }
0x2: {  	s0 =	rddreg [dreg:$0x1];
	_ =	strace $0x8000004A;
	s3 =	srdreg.scid  }
0x3: {  	s1 =	stileid.u32;
	s6 =	simm.s32 $0x2;
	s12 =	simm.s32 $0x0  }
0x4: {  	p0 =	por $0x0, $0x0;
	s7 =	simm.s32 $0x1000;
	s13 =	simm.s32 $0x0  }
.Ltmp0:
0x5: {  	s14 =	simm.s32 $0x0;
	s9 =	simm.s32 $0x0;
	(pc) =	sbr.rel .LBB1_1-.Ltmp0, $4  }
0x6: {  	s10 =	simm.s32 $0x0;
	s8 =	simm.s32 $0x0;
	s5 =	sshll.u32 s3, $0x4  }
0x7: {  	s2 =	sadd.s32 $0x1800, s4;
	s3 =	simm.s32 $0x1;
	s5 =	sand.u32 $0x10, s5  }
0x8: {  	s4 =	sadd.s32 $0x1C1800, s4;
	[sflag:s3] =	ssyncpa.u1 $0x0;
	s5 =	sor.u32 s1, s5  }
0x9: {  	[sflag:s6] =	ssyncpa.u1 $0x0;
	s6 =	simm.s32 $0x80;
	s11 =	smov.u32 s5  }
.LBB1_7:
0xa: {  	s15 =	sadd.s32 $0x4, s9  }
0xb: {  	s12 =	sadd.s32 $0x20, s10;
	s16 =	smov.u32 s10;
	p2 =	sgt.s32 s15, $0x6F  }
0xc: {  	s16 =	smov.u32 @p2 s12  }
0xd: {  	s18 =	smov.u32 s11;
	s12 =	sadd.s32 $0x20, s11;
	p3 =	sgt.s32 s16, $0x1F  }
0xe: {  	p1 =	slt.u32 s8, $0x2;
	s18 =	smov.u32 @p3 s12  }
0xf: {  	s8 =	sadd.s32 $0x1, s8;
	s15 =	simm.s32 @p2 $0x0;
	p2 =	sgt.s32 s18, $0x1F  }
0x10: {  	s18 =	smov.u32 @p2 s5;
	p2 =	sne.s32 s8, $0x1E  }
.Ltmp1:
0x11: {  	s17 =	simm.s32 @!p1 $0x2;
	(pc) =	sbr.rel @!p2 .LBB1_8-.Ltmp1, $4  }
0x12: {  	s13 =	smov.u32 s10;
	_ =	swait.ge @!p1 [sflag:s17], $0x4000  }
0x13: {  	s14 =	smov.u32 s11;
	p0 =	por !p0, !p0;
	[sflag:s17] =	ssyncset.done @!p1 $0x0  }
0x14: {  	s16 =	simm.s32 @p3 $0x0;
	s12 =	smov.u32 s9;
	[sflag:s17] =	ssyncadd.s32 @!p1 $0xFFFFC000  }
0x15: {  	s9 =	smov.u32 s15;
	s10 =	smov.u32 s16;
	s11 =	smov.u32 s18  }
.LBB1_1:
0x16: {  	p1 =	sgt.u32 s8, $0x1B  }
0x17: {  	s15 =	sand.u32 @!p1 $0x1FFFFFF, s9;
	s17 =	smul.u32 @!p1 $0xE000, s11  }
0x18: {  	s16 =	smulhi.u32 @!p1 $0x2492493, s15  }
0x19: {  	s19 =	smul.u32 @!p1 $0x700, s10  }
0x1a: {  	s16 =	smul.u32 @!p1 $0x70, s16  }
0x1b: {  	s17 =	sadd.s32 @!p1 s2, s17  }
0x1c: {  	s18 =	sxor.u32 @!p1 $0xFFFFFFFF, s8;
	s17 =	sadd.s32 @!p1 s19, s17;
	s15 =	ssub.s32 @!p1 s15, s16  }
0x1d: {  	s16 =	sshll.u32 @!p1 s18, $0xE;
	s18 =	simm.s32 @!p1 $0x3800;
	s15 =	sshll.u32 @!p1 s15, $0x4  }
0x1e: {  	s16 =	sand.u32 @!p1 $0x4000, s16;
	s15 =	sadd.s32 @!p1 s15, s17;
	s17 =	simm.s32 @!p1 $0x200  }
0x1f: {  	[tilespmem:s16], [sflag:$0x1] =	stream.strided.gather @!p1 [hbm4b:s15+s17], $0x4000, s18, s17, $0x38;
	[tilespmem:$0x10000] =	vst v63  }
0x20: {  	p1 =	seq.s32 s8, $0x0  }
0x21: {  	p2 =	seq.s32 @!p1 s8, $0x1D  }
0x22: {  	p1 =	por p1, p2  }
.Ltmp2:
0x23: {  	_ = 	snop;
	(pc) =	sbr.rel @p1 .LBB1_7-.Ltmp2, $1  }
0x24: {  	_ =	sdelay $0x3  }
0x25: {  	s15 =	simm.s32 $0x1;
	_ =	swait.ge [sflag:s3], $0x4000;
	s18 =	sshll.u32 s8, $0xE  }
0x26: {  	s15 =	simm.s32 @!p0 $0x0;
	[sflag:s3] =	ssyncset.done $0x0;
	s31 =	sand.u32 $0x4000, s18  }
0x27: {  	s18 =	simm.s32 $0x0;
	s15 =	sshll.u32 s15, $0xE;
	[sflag:s3] =	ssyncadd.s32 $0xFFFFC000  }
0x28: {  	s16 =	sor.u32 $0x8040, s15;
	s17 =	sor.u32 $0x40, s15;
	s15 =	sor.u32 $0x8000, s31  }
.LBB1_3:
0x29: {  	v0 =	vmov s17;
	_ =	sdelay $0x3  }
0x2a: {  	s20 =	simm.s32 $0x0  }
0x2b: {  	v6 =	vld.idx.msk [tilespmem:v0+s20+$0x30 ss:$0x1], $0xffff  }
0x2c: {  	v7 =	vld.idx.msk [tilespmem:v0+s20+$0xFFFFFFC0 ss:$0x1], $0xffff  }
0x2d: {  	v5 =	vld.idx.msk [tilespmem:v0+s20+$0xFFFFFFD0 ss:$0x1], $0xffff  }
0x2e: {  	v4 =	vld.idx.msk [tilespmem:v0+s20+$0xFFFFFFE0 ss:$0x1], $0xffff  }
0x2f: {  	v3 =	vld.idx.msk [tilespmem:v0+s20+$0xFFFFFFF0 ss:$0x1], $0xffff  }
0x30: {  	v1 =	vld.idx.msk [tilespmem:v0+s20+$0x0 ss:$0x1], $0xffff  }
0x31: {  	v2 =	vld.idx.msk [tilespmem:v0+s20+$0x10 ss:$0x1], $0xffff;
	[tilespmem:s16+$0x30] =	vst v6  }
0x32: {  	s19 =	simm.s32 $0x80;
	s21 =	simm.s32 $0x400;
	[tilespmem:s16+$0xFFFFFFC0] =	vst v7;
	v6 =	vld.idx.msk [tilespmem:v0+s20+$0x20 ss:$0x1], $0xffff;
	s20 =	smov.u32 s16  }
.LBB1_4:
0x33: {  	p1 =	sne.s32 s21, $0x600;
	v7 =	vld.idx.msk [tilespmem:v0+s19+$0x30 ss:$0x1], $0xffff;
	[tilespmem:s20+$0xFFFFFFD0] =	vst v5  }
0x34: {  	v8 =	vld.idx.msk [tilespmem:v0+s19+$0xFFFFFFC0 ss:$0x1], $0xffff;
	[tilespmem:s20+$0xFFFFFFE0] =	vst v4  }
0x35: {  	v5 =	vld.idx.msk [tilespmem:v0+s19+$0xFFFFFFD0 ss:$0x1], $0xffff;
	[tilespmem:s20+$0xFFFFFFF0] =	vst v3  }
.Ltmp3:
0x36: {  	v4 =	vld.idx.msk [tilespmem:v0+s19+$0xFFFFFFE0 ss:$0x1], $0xffff;
	[tilespmem:s20+$0x0] =	vst v1;
	(pc) =	sbr.rel @p1 .LBB1_4-.Ltmp3, $4  }
0x37: {  	v3 =	vld.idx.msk [tilespmem:v0+s19+$0xFFFFFFF0 ss:$0x1], $0xffff;
	[tilespmem:s20+$0x10] =	vst v2  }
0x38: {  	v1 =	vld.idx.msk [tilespmem:v0+s19+$0x0 ss:$0x1], $0xffff;
	[tilespmem:s20+$0x20] =	vst v6;
	s20 =	sadd.s32 $0x1000, s20  }
0x39: {  	v2 =	vld.idx.msk [tilespmem:v0+s19+$0x10 ss:$0x1], $0xffff;
	[tilespmem:s20+$0x30] =	vst v7  }
0x3a: {  	[tilespmem:s20+$0xFFFFFFC0] =	vst v8;
	v6 =	vld.idx.msk [tilespmem:v0+s19+$0x20 ss:$0x1], $0xffff;
	s19 =	sshra.s32 s21, $0x2;
	s21 =	sadd.s32 $0x200, s21  }
0x3b: {  	_ =	sdelay $0x2  }
0x3c: {  	[tilespmem:s20+$0xFFFFFFD0] =	vst v5  }
0x3d: {  	v56 =	vld.idx.msk [tilespmem:v0+s19+$0x30 ss:$0x1], $0xffff;
	[tilespmem:s20+$0xFFFFFFE0] =	vst v4  }
0x3e: {  	v57 =	vld.idx.msk [tilespmem:v0+s19+$0xFFFFFFC0 ss:$0x1], $0xffff;
	[tilespmem:s20+$0xFFFFFFF0] =	vst v3  }
0x3f: {  	v58 =	vld.idx.msk [tilespmem:v0+s19+$0xFFFFFFD0 ss:$0x1], $0xffff;
	[tilespmem:s20+$0x0] =	vst v1  }
0x40: {  	v59 =	vld.idx.msk [tilespmem:v0+s19+$0xFFFFFFE0 ss:$0x1], $0xffff;
	[tilespmem:s20+$0x10] =	vst v2  }
0x41: {  	v60 =	vld.idx.msk [tilespmem:v0+s19+$0xFFFFFFF0 ss:$0x1], $0xffff;
	s31 =	sadd.s32 $0x1000, s20;
	[tilespmem:s20+$0x20] =	vst v6  }
0x42: {  	v61 =	vld.idx.msk [tilespmem:v0+s19+$0x0 ss:$0x1], $0xffff;
	[tilespmem:s31+$0x30] =	vst v56  }
0x43: {  	v62 =	vld.idx.msk [tilespmem:v0+s19+$0x10 ss:$0x1], $0xffff;
	s18 =	sadd.s32 $0x1, s18;
	[tilespmem:s31+$0xFFFFFFC0] =	vst v57  }
0x44: {  	v63 =	vld.idx.msk [tilespmem:v0+s19+$0x20 ss:$0x1], $0xffff;
	p1 =	sne.s32 s18, $0x20;
	[tilespmem:s31+$0xFFFFFFD0] =	vst v58  }
.Ltmp4:
0x45: {  	[tilespmem:s31+$0xFFFFFFE0] =	vst v59;
	(pc) =	sbr.rel @p1 .LBB1_3-.Ltmp4, $4  }
0x46: {  	[tilespmem:s31+$0xFFFFFFF0] =	vst v60  }
0x47: {  	[tilespmem:s31+$0x0] =	vst v61  }
0x48: {  	[tilespmem:s31+$0x10] =	vst v62  }
0x49: {  	s16 =	sadd.s32 $0x80, s16;
	s17 =	sadd.s32 $0x200, s17;
	[tilespmem:s31+$0x20] =	vst v63  }
.Ltmp5:
0x4a: {  	s13 =	sshll.u32 s13, $0x9;
	s14 =	sshll.u32 s14, $0x4;
	(pc) =	sbr.rel .LBB1_7-.Ltmp5, $4  }
0x4b: {  	s14 =	sand.u32 $0x1F0, s14;
	s13 =	sadd.s32 s4, s13  }
0x4c: {  	s12 =	sshll.u32 s12, $0xE;
	s13 =	sadd.s32 s14, s13  }
0x4d: {  	s12 =	sadd.s32 s12, s13  }
0x4e: {  	[hbm4b:s12+s6] =	stream.strided.scatter [tilespmem:s15], [sflag:$0x2], $0x4000, s7, s6, $0x38;
	[tilespmem:$0x10000] =	vst v63  }
.LBB1_8:
0x4f: {  	_ =	sfence.sel $0x180000  }
0x50: {  	s2 =	simm.s32 $0x1;
	[bflag:$0x0] =	sbarrier.arrive $0xFFFF  }
0x51: {  	s31 =	simm.s32 $0x2;
	[sflag:s2] =	ssyncpa.u1 $0x1  }
0x52: {  	[sflag:s31] =	ssyncpa.u1 $0x1  }
0x53: {  	p0 =	sne.s32 s1, $0x0;
	_ =	strace $0x9000004A  }
0x54: {  	s0 =	sadd.s32 @!p0 $0x100000, s0;
	[bflag:$0x2] =	sbarrier.arrive $0xFFFF  }
0x55: {  	[sflag:s0] =	ssyncadd.tile.s32 @!p0 $0x1;
	_ =	shalt  }
.Lfunc_end1:
_tile_overlayer_lowered:
.L_overlay_start_2:
0x56: {  	(tag) =	ssettag $0x2  }
0x57: {  	s0 =	rddreg [dreg:$0x0];
	s2 =	stileid.u32  }
0x58: {  	s1 =	rddreg [dreg:$0x1];
	p0 =	sne.s32 s2, $0x0  }
0x59: {  	s3 =	rddreg [dreg:$0x2];
	[bflag:$0x3] =	sbarrier.arrive $0xFFFF;
	s2 =	simm.s32 @!p0 $0x1C01  }
0x5a: {  	[timem:s3], [sflag:s2] =	dma.local @!p0 [hbm:s0], s1  }
0x5b: {  	s0 =	simm.s32 @!p0 $0x1  }
0x5c: {  	_ =	swait.ge @!p0 [sflag:s0], s1  }
0x5d: {  	s1 =	ssub.s32 @!p0 $0x0, s1;
	[sflag:s0] =	ssyncset.done @!p0 $0x0  }
0x5e: {  	[sflag:s0] =	ssyncadd.s32 @!p0 s1  }
0x5f: {  	[bflag:$0x3] =	sbarrier.arrive $0xFFFF  }
0x60: {  	_ =	shalt  }

</sc_bundles>
